<compile_context>
chip_gen: v7x
topology: tpu7x:2x2x1
jax: 0.10.2.dev20260603
libtpu: 0.0.44.dev20260713+nightly
codegen_flags: <defaults>
</compile_context>

<pallas_src>
import functools

import jax
import jax.numpy as jnp
from jax import lax
from jax.experimental import pallas as pl
from jax.experimental.pallas import tpu as pltpu
from jax.experimental.pallas import tpu_sc as plsc

_NC = 2
_NS = 16
_NW = _NC * _NS
_CH = 80
_L = 16
_B = 400


def _sc_gather(x, sx, sy, sz, idx):
    E = idx.shape[0]
    D = x.shape[1]
    N0 = sx.shape[0]
    per_w = E // _NW
    n_chunks = per_w // _CH
    n_vec = per_w // _L
    mesh = plsc.VectorSubcoreMesh(core_axis_name="c", subcore_axis_name="s")

    @functools.partial(
        pl.kernel,
        mesh=mesh,
        compiler_params=pltpu.CompilerParams(needs_layout_passes=False),
        out_type=[
            jax.ShapeDtypeStruct((E, D), jnp.float32),
            jax.ShapeDtypeStruct((E,), jnp.float32),
            jax.ShapeDtypeStruct((E,), jnp.float32),
            jax.ShapeDtypeStruct((E,), jnp.float32),
        ],
        scratch_types=[
            pltpu.VMEM((per_w,), jnp.int32),
            pltpu.VMEM((N0,), jnp.float32),
            pltpu.VMEM((N0,), jnp.float32),
            pltpu.VMEM((N0,), jnp.float32),
            pltpu.VMEM((per_w,), jnp.float32),
            pltpu.VMEM((per_w,), jnp.float32),
            pltpu.VMEM((per_w,), jnp.float32),
            pltpu.VMEM((_CH, D), jnp.float32),
            pltpu.VMEM((_CH, D), jnp.float32),
            pltpu.VMEM((_CH, D), jnp.float32),
            pltpu.VMEM((_CH, D), jnp.float32),
            pltpu.SemaphoreType.DMA,
            pltpu.SemaphoreType.DMA,
            pltpu.SemaphoreType.DMA,
            pltpu.SemaphoreType.DMA,
        ],
    )
    def gather_kernel(x_hbm, sx_hbm, sy_hbm, sz_hbm, idx_hbm,
                      gf_hbm, gx_hbm, gy_hbm, gz_hbm,
                      idx_v, sx_v, sy_v, sz_v, cx_v, cy_v, cz_v,
                      f_v0, f_v1, f_v2, f_v3, fsem0, fsem1, fsem2, fsem3):
        wid = lax.axis_index("s") * _NC + lax.axis_index("c")
        base = wid * per_w

        pltpu.sync_copy(idx_hbm.at[pl.ds(base, per_w)], idx_v)
        pltpu.sync_copy(sx_hbm, sx_v)
        pltpu.sync_copy(sy_hbm, sy_v)
        pltpu.sync_copy(sz_hbm, sz_v)

        def cbody(i, carry):
            iv = idx_v[pl.ds(i * _L, _L)]
            cx_v[pl.ds(i * _L, _L)] = plsc.load_gather(sx_v, [iv])
            cy_v[pl.ds(i * _L, _L)] = plsc.load_gather(sy_v, [iv])
            cz_v[pl.ds(i * _L, _L)] = plsc.load_gather(sz_v, [iv])
            return carry

        lax.fori_loop(0, n_vec, cbody, 0)
        pltpu.sync_copy(cx_v, gx_hbm.at[pl.ds(base, per_w)])
        pltpu.sync_copy(cy_v, gy_hbm.at[pl.ds(base, per_w)])
        pltpu.sync_copy(cz_v, gz_hbm.at[pl.ds(base, per_w)])

        bufs = ((f_v0, fsem0), (f_v1, fsem1), (f_v2, fsem2), (f_v3, fsem3))
        n_grp = n_chunks // 4

        def fbody(p, carry):
            j0 = 4 * p
            cps = []
            for t, (fv, fs) in enumerate(bufs):
                cps.append(pltpu.async_copy(
                    x_hbm.at[idx_v.at[pl.ds((j0 + t) * _CH, _CH)]], fv, fs))
            for t, (fv, _) in enumerate(bufs):
                cps[t].wait()
                pltpu.sync_copy(
                    fv, gf_hbm.at[pl.ds(base + (j0 + t) * _CH, _CH)])
            return carry

        lax.fori_loop(0, n_grp, fbody, 0)
        for j_last in range(n_grp * 4, n_chunks):
            fv, fs = bufs[j_last % 4]
            cp = pltpu.async_copy(
                x_hbm.at[idx_v.at[pl.ds(j_last * _CH, _CH)]], fv, fs)
            cp.wait()
            pltpu.sync_copy(fv, gf_hbm.at[pl.ds(base + j_last * _CH, _CH)])

    return gather_kernel(x, sx, sy, sz, idx)


def _tc_body(qp_ref, cx_ref, cy_ref, cz_ref, g_ref, kp_ref, w_ref, o_ref):
    qx = qp_ref[:, 0:1]
    qy = qp_ref[:, 1:2]
    qz = qp_ref[:, 2:3]
    rx = cx_ref[...] - qx
    ry = cy_ref[...] - qy
    rz = cz_ref[...] - qz
    B = rx.shape[0]
    M = rx.shape[1]
    n_kp = w_ref.shape[0]
    d_out = w_ref.shape[2]

    kg = 5

    def kbody(kq, acc):
        gall = g_ref[...]
        for t in range(kg):
            k = kq * kg + t
            dx = rx - kp_ref[k, 0]
            dy = ry - kp_ref[k, 1]
            dz = rz - kp_ref[k, 2]
            d2 = dx * dx + dy * dy + dz * dz
            wk = jnp.maximum(0.0, 1.0 - jnp.sqrt(d2) * 2.0)
            hk = jnp.sum(wk[:, :, None] * gall, axis=1)
            wmat = w_ref[pl.ds(k, 1)][0]
            acc = acc + jnp.dot(hk, wmat,
                                preferred_element_type=jnp.float32)
        return acc

    o_ref[...] = lax.fori_loop(
        0, n_kp // kg, kbody, jnp.zeros((B, d_out), jnp.float32))


def kernel(query_points, support_points, neighbors, x, K_points, weight):
    N, M = neighbors.shape
    D = x.shape[1]
    qp16 = jnp.pad(query_points, ((0, 0), (0, 13)))
    kp16 = jnp.pad(K_points, ((0, 1), (0, 13)))
    sx = support_points[:, 0]
    sy = support_points[:, 1]
    sz = support_points[:, 2]
    idx = neighbors.reshape(N * M)

    gf, gx, gy, gz = _sc_gather(x, sx, sy, sz, idx)
    g3 = gf.reshape(N, M, D)
    cx = gx.reshape(N, M)
    cy = gy.reshape(N, M)
    cz = gz.reshape(N, M)

    out = pl.pallas_call(
        _tc_body,
        grid=(N // _B,),
        in_specs=[
            pl.BlockSpec((_B, 16), lambda i: (i, 0)),
            pl.BlockSpec((_B, M), lambda i: (i, 0)),
            pl.BlockSpec((_B, M), lambda i: (i, 0)),
            pl.BlockSpec((_B, M), lambda i: (i, 0)),
            pl.BlockSpec((_B, M, D), lambda i: (i, 0, 0)),
            pl.BlockSpec((16, 16), lambda i: (0, 0),
                         memory_space=pltpu.SMEM),
            pl.BlockSpec(weight.shape, lambda i: (0, 0, 0)),
        ],
        out_specs=pl.BlockSpec((_B, weight.shape[2]), lambda i: (i, 0)),
        out_shape=jax.ShapeDtypeStruct((N, weight.shape[2]), jnp.float32),
    )(qp16, cx, cy, cz, g3, kp16, weight)
    return out

# --- scband reference (transcript-rebuilt; emitter-appended) ---
"""Pipeline reference for scband-kpconv-layer-13795434955245 (READ-ONLY COPY).

The authoritative reference and input builder live on the scoring server;
editing this copy changes nothing except your own understanding.
"""

import jax, jax.numpy as jnp
import numpy as np

N = 10000
N0 = 10000
M = 32
D_IN = 128
D_OUT = 128
N_KP = 15
DIM = 3
POINT_INFLUENCE = 0.5
KERNEL_RADIUS = 1.5 * POINT_INFLUENCE


def _make_kernel_points():
    # Stand-in for load_kernels(): N_KP points dispersed inside the kernel sphere,
    # with the first point fixed at the center (fixed='center').
    rng = np.random.RandomState(42)
    pts = rng.normal(size=(N_KP, DIM)).astype(np.float32)
    pts = pts / (np.linalg.norm(pts, axis=1, keepdims=True) + 1e-9)
    radii = rng.uniform(0.3, 1.0, size=(N_KP, 1)).astype(np.float32)
    pts = pts * radii * KERNEL_RADIUS
    pts[0, :] = 0.0
    return jnp.asarray(pts)


def setup_inputs(seed: int = 0):
    key = jax.random.key(seed)
    k1, k2, k3, k4, k5 = jax.random.split(key, 5)
    query_points = jax.random.uniform(k1, (N, DIM), dtype=jnp.float32)
    support_points = jax.random.uniform(k2, (N0, DIM), dtype=jnp.float32)
    neighbors = jax.random.randint(k3, (N, M), 0, N0, dtype=jnp.int32)
    x = jax.random.normal(k4, (N0, D_IN), dtype=jnp.float32)
    # xavier_normal_ for weight [n_kernel_points, num_inputs, num_outputs]
    std = (2.0 / (D_IN + D_OUT)) ** 0.5
    weight = jax.random.normal(k5, (N_KP, D_IN, D_OUT), dtype=jnp.float32) * std
    K_points = _make_kernel_points()
    return {
        "query_points": query_points,
        "support_points": support_points,
        "neighbors": neighbors,
        "x": x,
        "K_points": K_points,
        "weight": weight,
    }


def reference(query_points, support_points, neighbors, x, K_points, weight):
    # KPConv_ops (original, non message-passing version)
    # Add a fake (shadow) support point far away for shadow neighbors
    shadow_point = jnp.ones_like(support_points[:1, :]) * 1e6
    sp = jnp.concatenate([support_points, shadow_point], axis=0)  # [N0+1, 3]

    # Gather neighbor coordinates [N, M, 3] and center on the query point
    neighb_pts = jnp.take(sp, neighbors, axis=0)
    neighb_pts = neighb_pts - query_points[:, None, :]

    # Differences to every kernel point [N, M, K, 3]
    differences = neighb_pts[:, :, None, :] - K_points[None, None, :, :]
    sq_distances = jnp.sum(differences ** 2, axis=3)  # [N, M, K]

    # KP_influence = 'linear'
    all_weights = jnp.maximum(0.0, 1.0 - jnp.sqrt(sq_distances) / POINT_INFLUENCE)
    all_weights = jnp.transpose(all_weights, (0, 2, 1))  # [N, K, M]

    # aggregation_mode = 'sum' -> no closest-kernel masking

    # Add shadow feature row of zeros and gather neighborhood features [N, M, d_in]
    feats = jnp.concatenate([x, jnp.zeros_like(x[:1, :])], axis=0)
    neighborhood_features = jnp.take(feats, neighbors, axis=0)

    # Apply distance weights [N, K, d_in]
    weighted_features = jnp.matmul(all_weights, neighborhood_features)

    # Apply network weights: [K, N, d_in] @ [K, d_in, d_out] -> [K, N, d_out]
    weighted_features = jnp.transpose(weighted_features, (1, 0, 2))
    kernel_outputs = jnp.matmul(weighted_features, weight)

    # Convolution sum over kernel points -> [N, d_out]
    return jnp.sum(kernel_outputs, axis=0)

if __name__ == "__main__":
    import jax
    _d = setup_inputs()
    print(jax.jit(kernel)(*tuple(_d.values())))

</pallas_src>

<mosaic_0001>
#map = affine_map<(d0, d1) -> (0, 0)>
#map1 = affine_map<(d0, d1) -> (0)>
module attributes {stable_mosaic.version = 14 : i64} {
  func.func @gather_kernel(%arg0: i32, %arg1: i32, %arg2: memref<10000x128xf32, #tpu.memory_space<hbm>>, %arg3: memref<10000xf32, #tpu.memory_space<hbm>>, %arg4: memref<10000xf32, #tpu.memory_space<hbm>>, %arg5: memref<10000xf32, #tpu.memory_space<hbm>>, %arg6: memref<320000xi32, #tpu.memory_space<hbm>>, %arg7: memref<320000x128xf32, #tpu.memory_space<hbm>>, %arg8: memref<320000xf32, #tpu.memory_space<hbm>>, %arg9: memref<320000xf32, #tpu.memory_space<hbm>>, %arg10: memref<320000xf32, #tpu.memory_space<hbm>>, %arg11: memref<10000xi32, #tpu.memory_space<vmem>>, %arg12: memref<10000xf32, #tpu.memory_space<vmem>>, %arg13: memref<10000xf32, #tpu.memory_space<vmem>>, %arg14: memref<10000xf32, #tpu.memory_space<vmem>>, %arg15: memref<10000xf32, #tpu.memory_space<vmem>>, %arg16: memref<10000xf32, #tpu.memory_space<vmem>>, %arg17: memref<10000xf32, #tpu.memory_space<vmem>>, %arg18: memref<80x128xf32, #tpu.memory_space<vmem>>, %arg19: memref<80x128xf32, #tpu.memory_space<vmem>>, %arg20: memref<80x128xf32, #tpu.memory_space<vmem>>, %arg21: memref<80x128xf32, #tpu.memory_space<vmem>>, %arg22: memref<!tpu.dma_semaphore, #tpu.memory_space<semaphore_mem>>, %arg23: memref<!tpu.dma_semaphore, #tpu.memory_space<semaphore_mem>>, %arg24: memref<!tpu.dma_semaphore, #tpu.memory_space<semaphore_mem>>, %arg25: memref<!tpu.dma_semaphore, #tpu.memory_space<semaphore_mem>>) attributes {dimension_semantics = [#tpu.dimension_semantics<core_parallel>, #tpu.dimension_semantics<subcore_parallel>], iteration_bounds = array<i64: 2, 16>, scalar_prefetch = 0 : i64, scratch_operands = 15 : i64, tpu.core_type = #tpu.core_type<sc_vector_subcore>, window_params = [{transform_indices = #map}, {transform_indices = #map1}, {transform_indices = #map1}, {transform_indices = #map1}, {transform_indices = #map1}, {transform_indices = #map}, {transform_indices = #map1}, {transform_indices = #map1}, {transform_indices = #map1}]} {
    %mul3A = arith.constant 2 : i32
    %mul3A_0 = arith.muli %arg1, %mul3A : i32
    %add3A = arith.addi %mul3A_0, %arg0 : i32
    %mul3A_1 = arith.constant 10000 : i32
    %mul3A_2 = arith.muli %add3A, %mul3A_1 : i32
    "tpu.region"() ({
      %run_scoped3A = tpu.sem_alloc : memref<!tpu.dma_semaphore, #tpu.memory_space<semaphore_mem>>
      %dma_start3A_24 = tpu.memref_slice %arg6[%mul3A_2] : memref<320000xi32, #tpu.memory_space<hbm>> -> memref<10000xi32, #tpu.memory_space<hbm>>
      %dma_start3A_25 = tpu.memref_slice %arg6[%mul3A_2] : memref<320000xi32, #tpu.memory_space<hbm>> -> memref<10000xi32, #tpu.memory_space<hbm>>
      tpu.enqueue_dma source(%dma_start3A_25 : memref<10000xi32, #tpu.memory_space<hbm>>) target(%arg11 : memref<10000xi32, #tpu.memory_space<vmem>>) target_semaphore(%run_scoped3A : memref<!tpu.dma_semaphore, #tpu.memory_space<semaphore_mem>>)
      %dma_wait3A_26 = tpu.memref_slice %arg6[%mul3A_2] : memref<320000xi32, #tpu.memory_space<hbm>> -> memref<10000xi32, #tpu.memory_space<hbm>>
      %dma_wait3A_27 = tpu.memref_slice %arg6[%mul3A_2] : memref<320000xi32, #tpu.memory_space<hbm>> -> memref<10000xi32, #tpu.memory_space<hbm>>
      tpu.wait_dma2 semaphore(%run_scoped3A : memref<!tpu.dma_semaphore, #tpu.memory_space<semaphore_mem>>) src(%dma_wait3A_27 : memref<10000xi32, #tpu.memory_space<hbm>>) dst(%arg11 : memref<10000xi32, #tpu.memory_space<vmem>>)
      tpu.yield
    }) : () -> ()
    "tpu.region"() ({
      %run_scoped3A = tpu.sem_alloc : memref<!tpu.dma_semaphore, #tpu.memory_space<semaphore_mem>>
      tpu.enqueue_dma source(%arg3 : memref<10000xf32, #tpu.memory_space<hbm>>) target(%arg12 : memref<10000xf32, #tpu.memory_space<vmem>>) target_semaphore(%run_scoped3A : memref<!tpu.dma_semaphore, #tpu.memory_space<semaphore_mem>>)
      tpu.wait_dma2 semaphore(%run_scoped3A : memref<!tpu.dma_semaphore, #tpu.memory_space<semaphore_mem>>) src(%arg3 : memref<10000xf32, #tpu.memory_space<hbm>>) dst(%arg12 : memref<10000xf32, #tpu.memory_space<vmem>>)
      tpu.yield
    }) : () -> ()
    "tpu.region"() ({
      %run_scoped3A = tpu.sem_alloc : memref<!tpu.dma_semaphore, #tpu.memory_space<semaphore_mem>>
      tpu.enqueue_dma source(%arg4 : memref<10000xf32, #tpu.memory_space<hbm>>) target(%arg13 : memref<10000xf32, #tpu.memory_space<vmem>>) target_semaphore(%run_scoped3A : memref<!tpu.dma_semaphore, #tpu.memory_space<semaphore_mem>>)
      tpu.wait_dma2 semaphore(%run_scoped3A : memref<!tpu.dma_semaphore, #tpu.memory_space<semaphore_mem>>) src(%arg4 : memref<10000xf32, #tpu.memory_space<hbm>>) dst(%arg13 : memref<10000xf32, #tpu.memory_space<vmem>>)
      tpu.yield
    }) : () -> ()
    "tpu.region"() ({
      %run_scoped3A = tpu.sem_alloc : memref<!tpu.dma_semaphore, #tpu.memory_space<semaphore_mem>>
      tpu.enqueue_dma source(%arg5 : memref<10000xf32, #tpu.memory_space<hbm>>) target(%arg14 : memref<10000xf32, #tpu.memory_space<vmem>>) target_semaphore(%run_scoped3A : memref<!tpu.dma_semaphore, #tpu.memory_space<semaphore_mem>>)
      tpu.wait_dma2 semaphore(%run_scoped3A : memref<!tpu.dma_semaphore, #tpu.memory_space<semaphore_mem>>) src(%arg5 : memref<10000xf32, #tpu.memory_space<hbm>>) dst(%arg14 : memref<10000xf32, #tpu.memory_space<vmem>>)
      tpu.yield
    }) : () -> ()
    %scan3A = arith.constant 0 : i32
    %scan3A_3 = arith.constant 0 : i32
    %scan3A_4 = arith.constant 625 : i32
    %scan3A_5 = arith.addi %scan3A_3, %scan3A_4 : i32
    %scan3A_6 = arith.constant 1 : i32
    scf.for %scan3A_24 = %scan3A_3 to %scan3A_5 step %scan3A_6  : i32 {
      %mul3A_25 = arith.constant 16 : i32
      %mul3A_26 = arith.muli %scan3A_24, %mul3A_25 : i32
      %get3A = arith.index_cast %mul3A_26 : i32 to index
      %get3A_27 = tpu.vector_load %arg11[%get3A] {strides = array<i32>} : memref<10000xi32, #tpu.memory_space<vmem>>, vector<16xi32>,
      %gather3A = tpu.vector_load_idx %arg12[%get3A_27] : memref<10000xf32, #tpu.memory_space<vmem>>[vector<16xi32>], vector<16xf32>,
      %mul3A_28 = arith.constant 16 : i32
      %mul3A_29 = arith.muli %scan3A_24, %mul3A_28 : i32
      %swap3A = arith.index_cast %mul3A_29 : i32 to index
      %swap3A_30 = tpu.vector_load %arg15[%swap3A] {strides = array<i32>} : memref<10000xf32, #tpu.memory_space<vmem>>, vector<16xf32>,
      tpu.vector_store %arg15[%swap3A], %gather3A {strides = array<i32>} : memref<10000xf32, #tpu.memory_space<vmem>>, vector<16xf32>,
      %gather3A_31 = tpu.vector_load_idx %arg13[%get3A_27] : memref<10000xf32, #tpu.memory_space<vmem>>[vector<16xi32>], vector<16xf32>,
      %mul3A_32 = arith.constant 16 : i32
      %mul3A_33 = arith.muli %scan3A_24, %mul3A_32 : i32
      %swap3A_34 = arith.index_cast %mul3A_33 : i32 to index
      %swap3A_35 = tpu.vector_load %arg16[%swap3A_34] {strides = array<i32>} : memref<10000xf32, #tpu.memory_space<vmem>>, vector<16xf32>,
      tpu.vector_store %arg16[%swap3A_34], %gather3A_31 {strides = array<i32>} : memref<10000xf32, #tpu.memory_space<vmem>>, vector<16xf32>,
      %gather3A_36 = tpu.vector_load_idx %arg14[%get3A_27] : memref<10000xf32, #tpu.memory_space<vmem>>[vector<16xi32>], vector<16xf32>,
      %mul3A_37 = arith.constant 16 : i32
      %mul3A_38 = arith.muli %scan3A_24, %mul3A_37 : i32
      %swap3A_39 = arith.index_cast %mul3A_38 : i32 to index
      %swap3A_40 = tpu.vector_load %arg17[%swap3A_39] {strides = array<i32>} : memref<10000xf32, #tpu.memory_space<vmem>>, vector<16xf32>,
      tpu.vector_store %arg17[%swap3A_39], %gather3A_36 {strides = array<i32>} : memref<10000xf32, #tpu.memory_space<vmem>>, vector<16xf32>,
    }
    %scan3A_7 = arith.constant 625 : i32
    "tpu.region"() ({
      %run_scoped3A = tpu.sem_alloc : memref<!tpu.dma_semaphore, #tpu.memory_space<semaphore_mem>>
      %dma_start3A_24 = tpu.memref_slice %arg8[%mul3A_2] : memref<320000xf32, #tpu.memory_space<hbm>> -> memref<10000xf32, #tpu.memory_space<hbm>>
      %dma_start3A_25 = tpu.memref_slice %arg8[%mul3A_2] : memref<320000xf32, #tpu.memory_space<hbm>> -> memref<10000xf32, #tpu.memory_space<hbm>>
      tpu.enqueue_dma source(%arg15 : memref<10000xf32, #tpu.memory_space<vmem>>) target(%dma_start3A_25 : memref<10000xf32, #tpu.memory_space<hbm>>) target_semaphore(%run_scoped3A : memref<!tpu.dma_semaphore, #tpu.memory_space<semaphore_mem>>)
      %dma_wait3A_26 = tpu.memref_slice %arg8[%mul3A_2] : memref<320000xf32, #tpu.memory_space<hbm>> -> memref<10000xf32, #tpu.memory_space<hbm>>
      %dma_wait3A_27 = tpu.memref_slice %arg8[%mul3A_2] : memref<320000xf32, #tpu.memory_space<hbm>> -> memref<10000xf32, #tpu.memory_space<hbm>>
      tpu.wait_dma2 semaphore(%run_scoped3A : memref<!tpu.dma_semaphore, #tpu.memory_space<semaphore_mem>>) src(%arg15 : memref<10000xf32, #tpu.memory_space<vmem>>) dst(%dma_wait3A_27 : memref<10000xf32, #tpu.memory_space<hbm>>)
      tpu.yield
    }) : () -> ()
    "tpu.region"() ({
      %run_scoped3A = tpu.sem_alloc : memref<!tpu.dma_semaphore, #tpu.memory_space<semaphore_mem>>
      %dma_start3A_24 = tpu.memref_slice %arg9[%mul3A_2] : memref<320000xf32, #tpu.memory_space<hbm>> -> memref<10000xf32, #tpu.memory_space<hbm>>
      %dma_start3A_25 = tpu.memref_slice %arg9[%mul3A_2] : memref<320000xf32, #tpu.memory_space<hbm>> -> memref<10000xf32, #tpu.memory_space<hbm>>
      tpu.enqueue_dma source(%arg16 : memref<10000xf32, #tpu.memory_space<vmem>>) target(%dma_start3A_25 : memref<10000xf32, #tpu.memory_space<hbm>>) target_semaphore(%run_scoped3A : memref<!tpu.dma_semaphore, #tpu.memory_space<semaphore_mem>>)
      %dma_wait3A_26 = tpu.memref_slice %arg9[%mul3A_2] : memref<320000xf32, #tpu.memory_space<hbm>> -> memref<10000xf32, #tpu.memory_space<hbm>>
      %dma_wait3A_27 = tpu.memref_slice %arg9[%mul3A_2] : memref<320000xf32, #tpu.memory_space<hbm>> -> memref<10000xf32, #tpu.memory_space<hbm>>
      tpu.wait_dma2 semaphore(%run_scoped3A : memref<!tpu.dma_semaphore, #tpu.memory_space<semaphore_mem>>) src(%arg16 : memref<10000xf32, #tpu.memory_space<vmem>>) dst(%dma_wait3A_27 : memref<10000xf32, #tpu.memory_space<hbm>>)
      tpu.yield
    }) : () -> ()
    "tpu.region"() ({
      %run_scoped3A = tpu.sem_alloc : memref<!tpu.dma_semaphore, #tpu.memory_space<semaphore_mem>>
      %dma_start3A_24 = tpu.memref_slice %arg10[%mul3A_2] : memref<320000xf32, #tpu.memory_space<hbm>> -> memref<10000xf32, #tpu.memory_space<hbm>>
      %dma_start3A_25 = tpu.memref_slice %arg10[%mul3A_2] : memref<320000xf32, #tpu.memory_space<hbm>> -> memref<10000xf32, #tpu.memory_space<hbm>>
      tpu.enqueue_dma source(%arg17 : memref<10000xf32, #tpu.memory_space<vmem>>) target(%dma_start3A_25 : memref<10000xf32, #tpu.memory_space<hbm>>) target_semaphore(%run_scoped3A : memref<!tpu.dma_semaphore, #tpu.memory_space<semaphore_mem>>)
      %dma_wait3A_26 = tpu.memref_slice %arg10[%mul3A_2] : memref<320000xf32, #tpu.memory_space<hbm>> -> memref<10000xf32, #tpu.memory_space<hbm>>
      %dma_wait3A_27 = tpu.memref_slice %arg10[%mul3A_2] : memref<320000xf32, #tpu.memory_space<hbm>> -> memref<10000xf32, #tpu.memory_space<hbm>>
      tpu.wait_dma2 semaphore(%run_scoped3A : memref<!tpu.dma_semaphore, #tpu.memory_space<semaphore_mem>>) src(%arg17 : memref<10000xf32, #tpu.memory_space<vmem>>) dst(%dma_wait3A_27 : memref<10000xf32, #tpu.memory_space<hbm>>)
      tpu.yield
    }) : () -> ()
    %scan3A_8 = arith.constant 0 : i32
    %scan3A_9 = arith.constant 0 : i32
    %scan3A_10 = arith.constant 31 : i32
    %scan3A_11 = arith.addi %scan3A_9, %scan3A_10 : i32
    %scan3A_12 = arith.constant 1 : i32
    scf.for %scan3A_24 = %scan3A_9 to %scan3A_11 step %scan3A_12  : i32 {
      %mul3A_25 = arith.constant 4 : i32
      %mul3A_26 = arith.muli %mul3A_25, %scan3A_24 : i32
      %add3A_27 = arith.constant 0 : i32
      %add3A_28 = arith.addi %mul3A_26, %add3A_27 : i32
      %mul3A_29 = arith.constant 80 : i32
      %mul3A_30 = arith.muli %add3A_28, %mul3A_29 : i32
      %dma_start3A_31 = tpu.memref_slice %arg11[%mul3A_30] : memref<10000xi32, #tpu.memory_space<vmem>> -> memref<80xi32, #tpu.memory_space<vmem>>
      %dma_start3A_32 = arith.constant 0 : i32
      %dma_start3A_33 = arith.constant 0 : i32
      %dma_start3A_34 = tpu.memref_slice %arg2[%dma_start3A_32, %dma_start3A_33] : memref<10000x128xf32, #tpu.memory_space<hbm>> -> memref<10000x128xf32, #tpu.memory_space<hbm>>
      tpu.enqueue_indirect_dma source(%dma_start3A_34 : memref<10000x128xf32, #tpu.memory_space<hbm>>) target(%arg18 : memref<80x128xf32, #tpu.memory_space<vmem>>) offsets(%dma_start3A_31 : memref<80xi32, #tpu.memory_space<vmem>>) semaphore(%arg22 : memref<!tpu.dma_semaphore, #tpu.memory_space<semaphore_mem>>)
      %add3A_35 = arith.constant 1 : i32
      %add3A_36 = arith.addi %mul3A_26, %add3A_35 : i32
      %mul3A_37 = arith.constant 80 : i32
      %mul3A_38 = arith.muli %add3A_36, %mul3A_37 : i32
      %dma_start3A_39 = tpu.memref_slice %arg11[%mul3A_38] : memref<10000xi32, #tpu.memory_space<vmem>> -> memref<80xi32, #tpu.memory_space<vmem>>
      %dma_start3A_40 = arith.constant 0 : i32
      %dma_start3A_41 = arith.constant 0 : i32
      %dma_start3A_42 = tpu.memref_slice %arg2[%dma_start3A_40, %dma_start3A_41] : memref<10000x128xf32, #tpu.memory_space<hbm>> -> memref<10000x128xf32, #tpu.memory_space<hbm>>
      tpu.enqueue_indirect_dma source(%dma_start3A_42 : memref<10000x128xf32, #tpu.memory_space<hbm>>) target(%arg19 : memref<80x128xf32, #tpu.memory_space<vmem>>) offsets(%dma_start3A_39 : memref<80xi32, #tpu.memory_space<vmem>>) semaphore(%arg23 : memref<!tpu.dma_semaphore, #tpu.memory_space<semaphore_mem>>)
      %add3A_43 = arith.constant 2 : i32
      %add3A_44 = arith.addi %mul3A_26, %add3A_43 : i32
      %mul3A_45 = arith.constant 80 : i32
      %mul3A_46 = arith.muli %add3A_44, %mul3A_45 : i32
      %dma_start3A_47 = tpu.memref_slice %arg11[%mul3A_46] : memref<10000xi32, #tpu.memory_space<vmem>> -> memref<80xi32, #tpu.memory_space<vmem>>
      %dma_start3A_48 = arith.constant 0 : i32
      %dma_start3A_49 = arith.constant 0 : i32
      %dma_start3A_50 = tpu.memref_slice %arg2[%dma_start3A_48, %dma_start3A_49] : memref<10000x128xf32, #tpu.memory_space<hbm>> -> memref<10000x128xf32, #tpu.memory_space<hbm>>
      tpu.enqueue_indirect_dma source(%dma_start3A_50 : memref<10000x128xf32, #tpu.memory_space<hbm>>) target(%arg20 : memref<80x128xf32, #tpu.memory_space<vmem>>) offsets(%dma_start3A_47 : memref<80xi32, #tpu.memory_space<vmem>>) semaphore(%arg24 : memref<!tpu.dma_semaphore, #tpu.memory_space<semaphore_mem>>)
      %add3A_51 = arith.constant 3 : i32
      %add3A_52 = arith.addi %mul3A_26, %add3A_51 : i32
      %mul3A_53 = arith.constant 80 : i32
      %mul3A_54 = arith.muli %add3A_52, %mul3A_53 : i32
      %dma_start3A_55 = tpu.memref_slice %arg11[%mul3A_54] : memref<10000xi32, #tpu.memory_space<vmem>> -> memref<80xi32, #tpu.memory_space<vmem>>
      %dma_start3A_56 = arith.constant 0 : i32
      %dma_start3A_57 = arith.constant 0 : i32
      %dma_start3A_58 = tpu.memref_slice %arg2[%dma_start3A_56, %dma_start3A_57] : memref<10000x128xf32, #tpu.memory_space<hbm>> -> memref<10000x128xf32, #tpu.memory_space<hbm>>
      tpu.enqueue_indirect_dma source(%dma_start3A_58 : memref<10000x128xf32, #tpu.memory_space<hbm>>) target(%arg21 : memref<80x128xf32, #tpu.memory_space<vmem>>) offsets(%dma_start3A_55 : memref<80xi32, #tpu.memory_space<vmem>>) semaphore(%arg25 : memref<!tpu.dma_semaphore, #tpu.memory_space<semaphore_mem>>)
      %dma_wait3A_59 = tpu.memref_slice %arg11[%mul3A_30] : memref<10000xi32, #tpu.memory_space<vmem>> -> memref<80xi32, #tpu.memory_space<vmem>>
      %dma_wait3A_60 = arith.constant 0 : i32
      %dma_wait3A_61 = arith.constant 0 : i32
      %dma_wait3A_62 = tpu.memref_slice %arg2[%dma_wait3A_60, %dma_wait3A_61] : memref<10000x128xf32, #tpu.memory_space<hbm>> -> memref<10000x128xf32, #tpu.memory_space<hbm>>
      tpu.wait_indirect_dma semaphore(%arg22 : memref<!tpu.dma_semaphore, #tpu.memory_space<semaphore_mem>>) src(%dma_wait3A_62 : memref<10000x128xf32, #tpu.memory_space<hbm>>) dst(%arg18 : memref<80x128xf32, #tpu.memory_space<vmem>>)
      %add3A_63 = arith.constant 0 : i32
      %add3A_64 = arith.addi %mul3A_26, %add3A_63 : i32
      %mul3A_65 = arith.constant 80 : i32
      %mul3A_66 = arith.muli %add3A_64, %mul3A_65 : i32
      %add3A_67 = arith.addi %mul3A_2, %mul3A_66 : i32
      "tpu.region"() ({
        %run_scoped3A = tpu.sem_alloc : memref<!tpu.dma_semaphore, #tpu.memory_space<semaphore_mem>>
        %dma_start3A_95 = arith.constant 0 : i32
        %dma_start3A_96 = tpu.memref_slice %arg7[%add3A_67, %dma_start3A_95] : memref<320000x128xf32, #tpu.memory_space<hbm>> -> memref<80x128xf32, #tpu.memory_space<hbm>>
        %dma_start3A_97 = arith.constant 0 : i32
        %dma_start3A_98 = tpu.memref_slice %arg7[%add3A_67, %dma_start3A_97] : memref<320000x128xf32, #tpu.memory_space<hbm>> -> memref<80x128xf32, #tpu.memory_space<hbm>>
        tpu.enqueue_dma source(%arg18 : memref<80x128xf32, #tpu.memory_space<vmem>>) target(%dma_start3A_98 : memref<80x128xf32, #tpu.memory_space<hbm>>) target_semaphore(%run_scoped3A : memref<!tpu.dma_semaphore, #tpu.memory_space<semaphore_mem>>)
        %dma_wait3A_99 = arith.constant 0 : i32
        %dma_wait3A_100 = tpu.memref_slice %arg7[%add3A_67, %dma_wait3A_99] : memref<320000x128xf32, #tpu.memory_space<hbm>> -> memref<80x128xf32, #tpu.memory_space<hbm>>
        %dma_wait3A_101 = arith.constant 0 : i32
        %dma_wait3A_102 = tpu.memref_slice %arg7[%add3A_67, %dma_wait3A_101] : memref<320000x128xf32, #tpu.memory_space<hbm>> -> memref<80x128xf32, #tpu.memory_space<hbm>>
        tpu.wait_dma2 semaphore(%run_scoped3A : memref<!tpu.dma_semaphore, #tpu.memory_space<semaphore_mem>>) src(%arg18 : memref<80x128xf32, #tpu.memory_space<vmem>>) dst(%dma_wait3A_102 : memref<80x128xf32, #tpu.memory_space<hbm>>)
        tpu.yield
      }) : () -> ()
      %dma_wait3A_68 = tpu.memref_slice %arg11[%mul3A_38] : memref<10000xi32, #tpu.memory_space<vmem>> -> memref<80xi32, #tpu.memory_space<vmem>>
      %dma_wait3A_69 = arith.constant 0 : i32
      %dma_wait3A_70 = arith.constant 0 : i32
      %dma_wait3A_71 = tpu.memref_slice %arg2[%dma_wait3A_69, %dma_wait3A_70] : memref<10000x128xf32, #tpu.memory_space<hbm>> -> memref<10000x128xf32, #tpu.memory_space<hbm>>
      tpu.wait_indirect_dma semaphore(%arg23 : memref<!tpu.dma_semaphore, #tpu.memory_space<semaphore_mem>>) src(%dma_wait3A_71 : memref<10000x128xf32, #tpu.memory_space<hbm>>) dst(%arg19 : memref<80x128xf32, #tpu.memory_space<vmem>>)
      %add3A_72 = arith.constant 1 : i32
      %add3A_73 = arith.addi %mul3A_26, %add3A_72 : i32
      %mul3A_74 = arith.constant 80 : i32
      %mul3A_75 = arith.muli %add3A_73, %mul3A_74 : i32
      %add3A_76 = arith.addi %mul3A_2, %mul3A_75 : i32
      "tpu.region"() ({
        %run_scoped3A = tpu.sem_alloc : memref<!tpu.dma_semaphore, #tpu.memory_space<semaphore_mem>>
        %dma_start3A_95 = arith.constant 0 : i32
        %dma_start3A_96 = tpu.memref_slice %arg7[%add3A_76, %dma_start3A_95] : memref<320000x128xf32, #tpu.memory_space<hbm>> -> memref<80x128xf32, #tpu.memory_space<hbm>>
        %dma_start3A_97 = arith.constant 0 : i32
        %dma_start3A_98 = tpu.memref_slice %arg7[%add3A_76, %dma_start3A_97] : memref<320000x128xf32, #tpu.memory_space<hbm>> -> memref<80x128xf32, #tpu.memory_space<hbm>>
        tpu.enqueue_dma source(%arg19 : memref<80x128xf32, #tpu.memory_space<vmem>>) target(%dma_start3A_98 : memref<80x128xf32, #tpu.memory_space<hbm>>) target_semaphore(%run_scoped3A : memref<!tpu.dma_semaphore, #tpu.memory_space<semaphore_mem>>)
        %dma_wait3A_99 = arith.constant 0 : i32
        %dma_wait3A_100 = tpu.memref_slice %arg7[%add3A_76, %dma_wait3A_99] : memref<320000x128xf32, #tpu.memory_space<hbm>> -> memref<80x128xf32, #tpu.memory_space<hbm>>
        %dma_wait3A_101 = arith.constant 0 : i32
        %dma_wait3A_102 = tpu.memref_slice %arg7[%add3A_76, %dma_wait3A_101] : memref<320000x128xf32, #tpu.memory_space<hbm>> -> memref<80x128xf32, #tpu.memory_space<hbm>>
        tpu.wait_dma2 semaphore(%run_scoped3A : memref<!tpu.dma_semaphore, #tpu.memory_space<semaphore_mem>>) src(%arg19 : memref<80x128xf32, #tpu.memory_space<vmem>>) dst(%dma_wait3A_102 : memref<80x128xf32, #tpu.memory_space<hbm>>)
        tpu.yield
      }) : () -> ()
      %dma_wait3A_77 = tpu.memref_slice %arg11[%mul3A_46] : memref<10000xi32, #tpu.memory_space<vmem>> -> memref<80xi32, #tpu.memory_space<vmem>>
      %dma_wait3A_78 = arith.constant 0 : i32
      %dma_wait3A_79 = arith.constant 0 : i32
      %dma_wait3A_80 = tpu.memref_slice %arg2[%dma_wait3A_78, %dma_wait3A_79] : memref<10000x128xf32, #tpu.memory_space<hbm>> -> memref<10000x128xf32, #tpu.memory_space<hbm>>
      tpu.wait_indirect_dma semaphore(%arg24 : memref<!tpu.dma_semaphore, #tpu.memory_space<semaphore_mem>>) src(%dma_wait3A_80 : memref<10000x128xf32, #tpu.memory_space<hbm>>) dst(%arg20 : memref<80x128xf32, #tpu.memory_space<vmem>>)
      %add3A_81 = arith.constant 2 : i32
      %add3A_82 = arith.addi %mul3A_26, %add3A_81 : i32
      %mul3A_83 = arith.constant 80 : i32
      %mul3A_84 = arith.muli %add3A_82, %mul3A_83 : i32
      %add3A_85 = arith.addi %mul3A_2, %mul3A_84 : i32
      "tpu.region"() ({
        %run_scoped3A = tpu.sem_alloc : memref<!tpu.dma_semaphore, #tpu.memory_space<semaphore_mem>>
        %dma_start3A_95 = arith.constant 0 : i32
        %dma_start3A_96 = tpu.memref_slice %arg7[%add3A_85, %dma_start3A_95] : memref<320000x128xf32, #tpu.memory_space<hbm>> -> memref<80x128xf32, #tpu.memory_space<hbm>>
        %dma_start3A_97 = arith.constant 0 : i32
        %dma_start3A_98 = tpu.memref_slice %arg7[%add3A_85, %dma_start3A_97] : memref<320000x128xf32, #tpu.memory_space<hbm>> -> memref<80x128xf32, #tpu.memory_space<hbm>>
        tpu.enqueue_dma source(%arg20 : memref<80x128xf32, #tpu.memory_space<vmem>>) target(%dma_start3A_98 : memref<80x128xf32, #tpu.memory_space<hbm>>) target_semaphore(%run_scoped3A : memref<!tpu.dma_semaphore, #tpu.memory_space<semaphore_mem>>)
        %dma_wait3A_99 = arith.constant 0 : i32
        %dma_wait3A_100 = tpu.memref_slice %arg7[%add3A_85, %dma_wait3A_99] : memref<320000x128xf32, #tpu.memory_space<hbm>> -> memref<80x128xf32, #tpu.memory_space<hbm>>
        %dma_wait3A_101 = arith.constant 0 : i32
        %dma_wait3A_102 = tpu.memref_slice %arg7[%add3A_85, %dma_wait3A_101] : memref<320000x128xf32, #tpu.memory_space<hbm>> -> memref<80x128xf32, #tpu.memory_space<hbm>>
        tpu.wait_dma2 semaphore(%run_scoped3A : memref<!tpu.dma_semaphore, #tpu.memory_space<semaphore_mem>>) src(%arg20 : memref<80x128xf32, #tpu.memory_space<vmem>>) dst(%dma_wait3A_102 : memref<80x128xf32, #tpu.memory_space<hbm>>)
        tpu.yield
      }) : () -> ()
      %dma_wait3A_86 = tpu.memref_slice %arg11[%mul3A_54] : memref<10000xi32, #tpu.memory_space<vmem>> -> memref<80xi32, #tpu.memory_space<vmem>>
      %dma_wait3A_87 = arith.constant 0 : i32
      %dma_wait3A_88 = arith.constant 0 : i32
      %dma_wait3A_89 = tpu.memref_slice %arg2[%dma_wait3A_87, %dma_wait3A_88] : memref<10000x128xf32, #tpu.memory_space<hbm>> -> memref<10000x128xf32, #tpu.memory_space<hbm>>
      tpu.wait_indirect_dma semaphore(%arg25 : memref<!tpu.dma_semaphore, #tpu.memory_space<semaphore_mem>>) src(%dma_wait3A_89 : memref<10000x128xf32, #tpu.memory_space<hbm>>) dst(%arg21 : memref<80x128xf32, #tpu.memory_space<vmem>>)
      %add3A_90 = arith.constant 3 : i32
      %add3A_91 = arith.addi %mul3A_26, %add3A_90 : i32
      %mul3A_92 = arith.constant 80 : i32
      %mul3A_93 = arith.muli %add3A_91, %mul3A_92 : i32
      %add3A_94 = arith.addi %mul3A_2, %mul3A_93 : i32
      "tpu.region"() ({
        %run_scoped3A = tpu.sem_alloc : memref<!tpu.dma_semaphore, #tpu.memory_space<semaphore_mem>>
        %dma_start3A_95 = arith.constant 0 : i32
        %dma_start3A_96 = tpu.memref_slice %arg7[%add3A_94, %dma_start3A_95] : memref<320000x128xf32, #tpu.memory_space<hbm>> -> memref<80x128xf32, #tpu.memory_space<hbm>>
        %dma_start3A_97 = arith.constant 0 : i32
        %dma_start3A_98 = tpu.memref_slice %arg7[%add3A_94, %dma_start3A_97] : memref<320000x128xf32, #tpu.memory_space<hbm>> -> memref<80x128xf32, #tpu.memory_space<hbm>>
        tpu.enqueue_dma source(%arg21 : memref<80x128xf32, #tpu.memory_space<vmem>>) target(%dma_start3A_98 : memref<80x128xf32, #tpu.memory_space<hbm>>) target_semaphore(%run_scoped3A : memref<!tpu.dma_semaphore, #tpu.memory_space<semaphore_mem>>)
        %dma_wait3A_99 = arith.constant 0 : i32
        %dma_wait3A_100 = tpu.memref_slice %arg7[%add3A_94, %dma_wait3A_99] : memref<320000x128xf32, #tpu.memory_space<hbm>> -> memref<80x128xf32, #tpu.memory_space<hbm>>
        %dma_wait3A_101 = arith.constant 0 : i32
        %dma_wait3A_102 = tpu.memref_slice %arg7[%add3A_94, %dma_wait3A_101] : memref<320000x128xf32, #tpu.memory_space<hbm>> -> memref<80x128xf32, #tpu.memory_space<hbm>>
        tpu.wait_dma2 semaphore(%run_scoped3A : memref<!tpu.dma_semaphore, #tpu.memory_space<semaphore_mem>>) src(%arg21 : memref<80x128xf32, #tpu.memory_space<vmem>>) dst(%dma_wait3A_102 : memref<80x128xf32, #tpu.memory_space<hbm>>)
        tpu.yield
      }) : () -> ()
    }
    %scan3A_13 = arith.constant 31 : i32
    %dma_start3A = arith.constant 9920 : i32
    %dma_start3A_14 = tpu.memref_slice %arg11[%dma_start3A] : memref<10000xi32, #tpu.memory_space<vmem>> -> memref<80xi32, #tpu.memory_space<vmem>>
    %dma_start3A_15 = arith.constant 0 : i32
    %dma_start3A_16 = arith.constant 0 : i32
    %dma_start3A_17 = tpu.memref_slice %arg2[%dma_start3A_15, %dma_start3A_16] : memref<10000x128xf32, #tpu.memory_space<hbm>> -> memref<10000x128xf32, #tpu.memory_space<hbm>>
    tpu.enqueue_indirect_dma source(%dma_start3A_17 : memref<10000x128xf32, #tpu.memory_space<hbm>>) target(%arg18 : memref<80x128xf32, #tpu.memory_space<vmem>>) offsets(%dma_start3A_14 : memref<80xi32, #tpu.memory_space<vmem>>) semaphore(%arg22 : memref<!tpu.dma_semaphore, #tpu.memory_space<semaphore_mem>>)
    %dma_wait3A = arith.constant 9920 : i32
    %dma_wait3A_18 = tpu.memref_slice %arg11[%dma_wait3A] : memref<10000xi32, #tpu.memory_space<vmem>> -> memref<80xi32, #tpu.memory_space<vmem>>
    %dma_wait3A_19 = arith.constant 0 : i32
    %dma_wait3A_20 = arith.constant 0 : i32
    %dma_wait3A_21 = tpu.memref_slice %arg2[%dma_wait3A_19, %dma_wait3A_20] : memref<10000x128xf32, #tpu.memory_space<hbm>> -> memref<10000x128xf32, #tpu.memory_space<hbm>>
    tpu.wait_indirect_dma semaphore(%arg22 : memref<!tpu.dma_semaphore, #tpu.memory_space<semaphore_mem>>) src(%dma_wait3A_21 : memref<10000x128xf32, #tpu.memory_space<hbm>>) dst(%arg18 : memref<80x128xf32, #tpu.memory_space<vmem>>)
    %add3A_22 = arith.constant 9920 : i32
    %add3A_23 = arith.addi %mul3A_2, %add3A_22 : i32
    "tpu.region"() ({
      %run_scoped3A = tpu.sem_alloc : memref<!tpu.dma_semaphore, #tpu.memory_space<semaphore_mem>>
      %dma_start3A_24 = arith.constant 0 : i32
      %dma_start3A_25 = tpu.memref_slice %arg7[%add3A_23, %dma_start3A_24] : memref<320000x128xf32, #tpu.memory_space<hbm>> -> memref<80x128xf32, #tpu.memory_space<hbm>>
      %dma_start3A_26 = arith.constant 0 : i32
      %dma_start3A_27 = tpu.memref_slice %arg7[%add3A_23, %dma_start3A_26] : memref<320000x128xf32, #tpu.memory_space<hbm>> -> memref<80x128xf32, #tpu.memory_space<hbm>>
      tpu.enqueue_dma source(%arg18 : memref<80x128xf32, #tpu.memory_space<vmem>>) target(%dma_start3A_27 : memref<80x128xf32, #tpu.memory_space<hbm>>) target_semaphore(%run_scoped3A : memref<!tpu.dma_semaphore, #tpu.memory_space<semaphore_mem>>)
      %dma_wait3A_28 = arith.constant 0 : i32
      %dma_wait3A_29 = tpu.memref_slice %arg7[%add3A_23, %dma_wait3A_28] : memref<320000x128xf32, #tpu.memory_space<hbm>> -> memref<80x128xf32, #tpu.memory_space<hbm>>
      %dma_wait3A_30 = arith.constant 0 : i32
      %dma_wait3A_31 = tpu.memref_slice %arg7[%add3A_23, %dma_wait3A_30] : memref<320000x128xf32, #tpu.memory_space<hbm>> -> memref<80x128xf32, #tpu.memory_space<hbm>>
      tpu.wait_dma2 semaphore(%run_scoped3A : memref<!tpu.dma_semaphore, #tpu.memory_space<semaphore_mem>>) src(%arg18 : memref<80x128xf32, #tpu.memory_space<vmem>>) dst(%dma_wait3A_31 : memref<80x128xf32, #tpu.memory_space<hbm>>)
      tpu.yield
    }) : () -> ()
    return
  }
}

module attributes {stable_mosaic.version = 14 : i64} {
  func.func @_tc_body(%arg0: i32, %arg1: memref<400x16xf32, #tpu.memory_space<vmem>>, %arg2: memref<400x32xf32, #tpu.memory_space<vmem>>, %arg3: memref<400x32xf32, #tpu.memory_space<vmem>>, %arg4: memref<400x32xf32, #tpu.memory_space<vmem>>, %arg5: memref<400x32x128xf32, #tpu.memory_space<vmem>>, %arg6: memref<16x16xf32, #tpu.memory_space<smem>>, %arg7: memref<15x128x128xf32, #tpu.memory_space<vmem>>, %arg8: memref<400x128xf32, #tpu.memory_space<vmem>>) attributes {dimension_semantics = [#tpu.dimension_semantics<arbitrary>], iteration_bounds = array<i64: 25>, scalar_prefetch = 0 : i64, scratch_operands = 0 : i64, tpu.core_type = #tpu.core_type<tc>, window_params = [{transform_indices = @transform_0, window_bounds = array<i64: 400, 16>}, {transform_indices = @transform_1, window_bounds = array<i64: 400, 32>}, {transform_indices = @transform_2, window_bounds = array<i64: 400, 32>}, {transform_indices = @transform_3, window_bounds = array<i64: 400, 32>}, {transform_indices = @transform_4, window_bounds = array<i64: 400, 32, 128>}, {transform_indices = @transform_5, window_bounds = array<i64: 16, 16>}, {pipeline_mode = #tpu.pipeline_mode<synchronous>, transform_indices = @transform_6, window_bounds = array<i64: 15, 128, 128>}, {transform_indices = @transform_7, window_bounds = array<i64: 400, 128>}]} {
    %get3A = arith.constant 0 : index
    %get3A_0 = arith.constant 0 : index
    %get3A_1 = vector.load %arg1[%get3A, %get3A_0] : memref<400x16xf32, #tpu.memory_space<vmem>>, vector<400x1xf32>
    %get3A_2 = arith.constant 0 : index
    %get3A_3 = arith.constant 1 : index
    %get3A_4 = vector.load %arg1[%get3A_2, %get3A_3] : memref<400x16xf32, #tpu.memory_space<vmem>>, vector<400x1xf32>
    %get3A_5 = arith.constant 0 : index
    %get3A_6 = arith.constant 2 : index
    %get3A_7 = vector.load %arg1[%get3A_5, %get3A_6] : memref<400x16xf32, #tpu.memory_space<vmem>>, vector<400x1xf32>
    %get3A_8 = arith.constant 0 : index
    %get3A_9 = arith.constant 0 : index
    %get3A_10 = vector.load %arg2[%get3A_8, %get3A_9] : memref<400x32xf32, #tpu.memory_space<vmem>>, vector<400x32xf32>
    %sub3A = vector.broadcast %get3A_1 : vector<400x1xf32> to vector<400x32xf32>
    %sub3A_11 = arith.subf %get3A_10, %sub3A : vector<400x32xf32>
    %get3A_12 = arith.constant 0 : index
    %get3A_13 = arith.constant 0 : index
    %get3A_14 = vector.load %arg3[%get3A_12, %get3A_13] : memref<400x32xf32, #tpu.memory_space<vmem>>, vector<400x32xf32>
    %sub3A_15 = vector.broadcast %get3A_4 : vector<400x1xf32> to vector<400x32xf32>
    %sub3A_16 = arith.subf %get3A_14, %sub3A_15 : vector<400x32xf32>
    %get3A_17 = arith.constant 0 : index
    %get3A_18 = arith.constant 0 : index
    %get3A_19 = vector.load %arg4[%get3A_17, %get3A_18] : memref<400x32xf32, #tpu.memory_space<vmem>>, vector<400x32xf32>
    %sub3A_20 = vector.broadcast %get3A_7 : vector<400x1xf32> to vector<400x32xf32>
    %sub3A_21 = arith.subf %get3A_19, %sub3A_20 : vector<400x32xf32>
    %broadcast_in_dim3A = arith.constant 0.000000e+00 : f32
    %broadcast_in_dim3A_22 = vector.broadcast %broadcast_in_dim3A : f32 to vector<400x128xf32>
    %scan3A = arith.constant 0 : i32
    %scan3A_23 = arith.constant 3 : i32
    %scan3A_24 = arith.addi %scan3A, %scan3A_23 : i32
    %scan3A_25 = arith.constant 1 : i32
    %scan3A_26 = scf.for %scan3A_30 = %scan3A to %scan3A_24 step %scan3A_25 iter_args(%scan3A_31 = %broadcast_in_dim3A_22) -> (vector<400x128xf32>)  : i32 {
      %get3A_32 = arith.constant 0 : index
      %get3A_33 = arith.constant 0 : index
      %get3A_34 = arith.constant 0 : index
      %get3A_35 = vector.load %arg5[%get3A_32, %get3A_33, %get3A_34] : memref<400x32x128xf32, #tpu.memory_space<vmem>>, vector<400x32x128xf32>
      %mul3A = arith.constant 5 : i32
      %mul3A_36 = arith.muli %scan3A_30, %mul3A : i32
      %add3A = arith.constant 0 : i32
      %add3A_37 = arith.addi %mul3A_36, %add3A : i32
      %get3A_38 = arith.index_cast %add3A_37 : i32 to index
      %get3A_39 = arith.constant 0 : index
      %get3A_40 = memref.load %arg6[%get3A_38, %get3A_39] : memref<16x16xf32, #tpu.memory_space<smem>>
      %sub3A_41 = vector.broadcast %get3A_40 : f32 to vector<400x32xf32>
      %sub3A_42 = arith.subf %sub3A_11, %sub3A_41 : vector<400x32xf32>
      %get3A_43 = arith.index_cast %add3A_37 : i32 to index
      %get3A_44 = arith.constant 1 : index
      %get3A_45 = memref.load %arg6[%get3A_43, %get3A_44] : memref<16x16xf32, #tpu.memory_space<smem>>
      %sub3A_46 = vector.broadcast %get3A_45 : f32 to vector<400x32xf32>
      %sub3A_47 = arith.subf %sub3A_16, %sub3A_46 : vector<400x32xf32>
      %get3A_48 = arith.index_cast %add3A_37 : i32 to index
      %get3A_49 = arith.constant 2 : index
      %get3A_50 = memref.load %arg6[%get3A_48, %get3A_49] : memref<16x16xf32, #tpu.memory_space<smem>>
      %sub3A_51 = vector.broadcast %get3A_50 : f32 to vector<400x32xf32>
      %sub3A_52 = arith.subf %sub3A_21, %sub3A_51 : vector<400x32xf32>
      %mul3A_53 = arith.mulf %sub3A_42, %sub3A_42 : vector<400x32xf32>
      %mul3A_54 = arith.mulf %sub3A_47, %sub3A_47 : vector<400x32xf32>
      %add3A_55 = arith.addf %mul3A_53, %mul3A_54 : vector<400x32xf32>
      %mul3A_56 = arith.mulf %sub3A_52, %sub3A_52 : vector<400x32xf32>
      %add3A_57 = arith.addf %add3A_55, %mul3A_56 : vector<400x32xf32>
      %sqrt3A = math.sqrt %add3A_57 : vector<400x32xf32>
      %mul3A_58 = arith.constant 2.000000e+00 : f32
      %mul3A_59 = vector.broadcast %mul3A_58 : f32 to vector<400x32xf32>
      %mul3A_60 = arith.mulf %sqrt3A, %mul3A_59 : vector<400x32xf32>
      %sub3A_61 = arith.constant 1.000000e+00 : f32
      %sub3A_62 = vector.broadcast %sub3A_61 : f32 to vector<400x32xf32>
      %sub3A_63 = arith.subf %sub3A_62, %mul3A_60 : vector<400x32xf32>
      %max3A = arith.constant 0.000000e+00 : f32
      %max3A_64 = vector.broadcast %max3A : f32 to vector<400x32xf32>
      %max3A_65 = arith.maximumf %max3A_64, %sub3A_63 : vector<400x32xf32>
      %broadcast_in_dim3A_66 = vector.shape_cast %max3A_65 : vector<400x32xf32> to vector<400x32x1xf32>
      %mul3A_67 = vector.broadcast %broadcast_in_dim3A_66 : vector<400x32x1xf32> to vector<400x32x128xf32>
      %mul3A_68 = arith.mulf %mul3A_67, %get3A_35 : vector<400x32x128xf32>
      %reduce_sum3A = arith.constant dense<0.000000e+00> : vector<400x128xf32>
      %reduce_sum3A_69 = vector.multi_reduction <add>, %mul3A_68, %reduce_sum3A [1] : vector<400x32x128xf32> to vector<400x128xf32>
      %get3A_70 = arith.index_cast %add3A_37 : i32 to index
      %get3A_71 = arith.constant 0 : index
      %get3A_72 = arith.constant 0 : index
      %get3A_73 = vector.load %arg7[%get3A_70, %get3A_71, %get3A_72] : memref<15x128x128xf32, #tpu.memory_space<vmem>>, vector<1x128x128xf32>
      %squeeze3A = vector.shape_cast %get3A_73 : vector<1x128x128xf32> to vector<128x128xf32>
      %dot_general3A = arith.constant dense<0.000000e+00> : vector<400x128xf32>
      %dot_general3A_74 = tpu.matmul %reduce_sum3A_69, %squeeze3A, %dot_general3A {dimension_numbers = #tpu.dot_dimension_numbers<[1], [0], [0], [1], [0, 0, 1, 1], [], []>, transpose_lhs_hint = false} : vector<400x128xf32>, vector<128x128xf32>, vector<400x128xf32> -> vector<400x128xf32>
      %add3A_75 = arith.addf %scan3A_31, %dot_general3A_74 : vector<400x128xf32>
      %mul3A_76 = arith.constant 5 : i32
      %mul3A_77 = arith.muli %scan3A_30, %mul3A_76 : i32
      %add3A_78 = arith.constant 1 : i32
      %add3A_79 = arith.addi %mul3A_77, %add3A_78 : i32
      %get3A_80 = arith.index_cast %add3A_79 : i32 to index
      %get3A_81 = arith.constant 0 : index
      %get3A_82 = memref.load %arg6[%get3A_80, %get3A_81] : memref<16x16xf32, #tpu.memory_space<smem>>
      %sub3A_83 = vector.broadcast %get3A_82 : f32 to vector<400x32xf32>
      %sub3A_84 = arith.subf %sub3A_11, %sub3A_83 : vector<400x32xf32>
      %get3A_85 = arith.index_cast %add3A_79 : i32 to index
      %get3A_86 = arith.constant 1 : index
      %get3A_87 = memref.load %arg6[%get3A_85, %get3A_86] : memref<16x16xf32, #tpu.memory_space<smem>>
      %sub3A_88 = vector.broadcast %get3A_87 : f32 to vector<400x32xf32>
      %sub3A_89 = arith.subf %sub3A_16, %sub3A_88 : vector<400x32xf32>
      %get3A_90 = arith.index_cast %add3A_79 : i32 to index
      %get3A_91 = arith.constant 2 : index
      %get3A_92 = memref.load %arg6[%get3A_90, %get3A_91] : memref<16x16xf32, #tpu.memory_space<smem>>
      %sub3A_93 = vector.broadcast %get3A_92 : f32 to vector<400x32xf32>
      %sub3A_94 = arith.subf %sub3A_21, %sub3A_93 : vector<400x32xf32>
      %mul3A_95 = arith.mulf %sub3A_84, %sub3A_84 : vector<400x32xf32>
      %mul3A_96 = arith.mulf %sub3A_89, %sub3A_89 : vector<400x32xf32>
      %add3A_97 = arith.addf %mul3A_95, %mul3A_96 : vector<400x32xf32>
      %mul3A_98 = arith.mulf %sub3A_94, %sub3A_94 : vector<400x32xf32>
      %add3A_99 = arith.addf %add3A_97, %mul3A_98 : vector<400x32xf32>
      %sqrt3A_100 = math.sqrt %add3A_99 : vector<400x32xf32>
      %mul3A_101 = arith.constant 2.000000e+00 : f32
      %mul3A_102 = vector.broadcast %mul3A_101 : f32 to vector<400x32xf32>
      %mul3A_103 = arith.mulf %sqrt3A_100, %mul3A_102 : vector<400x32xf32>
      %sub3A_104 = arith.constant 1.000000e+00 : f32
      %sub3A_105 = vector.broadcast %sub3A_104 : f32 to vector<400x32xf32>
      %sub3A_106 = arith.subf %sub3A_105, %mul3A_103 : vector<400x32xf32>
      %max3A_107 = arith.constant 0.000000e+00 : f32
      %max3A_108 = vector.broadcast %max3A_107 : f32 to vector<400x32xf32>
      %max3A_109 = arith.maximumf %max3A_108, %sub3A_106 : vector<400x32xf32>
      %broadcast_in_dim3A_110 = vector.shape_cast %max3A_109 : vector<400x32xf32> to vector<400x32x1xf32>
      %mul3A_111 = vector.broadcast %broadcast_in_dim3A_110 : vector<400x32x1xf32> to vector<400x32x128xf32>
      %mul3A_112 = arith.mulf %mul3A_111, %get3A_35 : vector<400x32x128xf32>
      %reduce_sum3A_113 = arith.constant dense<0.000000e+00> : vector<400x128xf32>
      %reduce_sum3A_114 = vector.multi_reduction <add>, %mul3A_112, %reduce_sum3A_113 [1] : vector<400x32x128xf32> to vector<400x128xf32>
      %get3A_115 = arith.index_cast %add3A_79 : i32 to index
      %get3A_116 = arith.constant 0 : index
      %get3A_117 = arith.constant 0 : index
      %get3A_118 = vector.load %arg7[%get3A_115, %get3A_116, %get3A_117] : memref<15x128x128xf32, #tpu.memory_space<vmem>>, vector<1x128x128xf32>
      %squeeze3A_119 = vector.shape_cast %get3A_118 : vector<1x128x128xf32> to vector<128x128xf32>
      %dot_general3A_120 = arith.constant dense<0.000000e+00> : vector<400x128xf32>
      %dot_general3A_121 = tpu.matmul %reduce_sum3A_114, %squeeze3A_119, %dot_general3A_120 {dimension_numbers = #tpu.dot_dimension_numbers<[1], [0], [0], [1], [0, 0, 1, 1], [], []>, transpose_lhs_hint = false} : vector<400x128xf32>, vector<128x128xf32>, vector<400x128xf32> -> vector<400x128xf32>
      %add3A_122 = arith.addf %add3A_75, %dot_general3A_121 : vector<400x128xf32>
      %mul3A_123 = arith.constant 5 : i32
      %mul3A_124 = arith.muli %scan3A_30, %mul3A_123 : i32
      %add3A_125 = arith.constant 2 : i32
      %add3A_126 = arith.addi %mul3A_124, %add3A_125 : i32
      %get3A_127 = arith.index_cast %add3A_126 : i32 to index
      %get3A_128 = arith.constant 0 : index
      %get3A_129 = memref.load %arg6[%get3A_127, %get3A_128] : memref<16x16xf32, #tpu.memory_space<smem>>
      %sub3A_130 = vector.broadcast %get3A_129 : f32 to vector<400x32xf32>
      %sub3A_131 = arith.subf %sub3A_11, %sub3A_130 : vector<400x32xf32>
      %get3A_132 = arith.index_cast %add3A_126 : i32 to index
      %get3A_133 = arith.constant 1 : index
      %get3A_134 = memref.load %arg6[%get3A_132, %get3A_133] : memref<16x16xf32, #tpu.memory_space<smem>>
      %sub3A_135 = vector.broadcast %get3A_134 : f32 to vector<400x32xf32>
      %sub3A_136 = arith.subf %sub3A_16, %sub3A_135 : vector<400x32xf32>
      %get3A_137 = arith.index_cast %add3A_126 : i32 to index
      %get3A_138 = arith.constant 2 : index
      %get3A_139 = memref.load %arg6[%get3A_137, %get3A_138] : memref<16x16xf32, #tpu.memory_space<smem>>
      %sub3A_140 = vector.broadcast %get3A_139 : f32 to vector<400x32xf32>
      %sub3A_141 = arith.subf %sub3A_21, %sub3A_140 : vector<400x32xf32>
      %mul3A_142 = arith.mulf %sub3A_131, %sub3A_131 : vector<400x32xf32>
      %mul3A_143 = arith.mulf %sub3A_136, %sub3A_136 : vector<400x32xf32>
      %add3A_144 = arith.addf %mul3A_142, %mul3A_143 : vector<400x32xf32>
      %mul3A_145 = arith.mulf %sub3A_141, %sub3A_141 : vector<400x32xf32>
      %add3A_146 = arith.addf %add3A_144, %mul3A_145 : vector<400x32xf32>
      %sqrt3A_147 = math.sqrt %add3A_146 : vector<400x32xf32>
      %mul3A_148 = arith.constant 2.000000e+00 : f32
      %mul3A_149 = vector.broadcast %mul3A_148 : f32 to vector<400x32xf32>
      %mul3A_150 = arith.mulf %sqrt3A_147, %mul3A_149 : vector<400x32xf32>
      %sub3A_151 = arith.constant 1.000000e+00 : f32
      %sub3A_152 = vector.broadcast %sub3A_151 : f32 to vector<400x32xf32>
      %sub3A_153 = arith.subf %sub3A_152, %mul3A_150 : vector<400x32xf32>
      %max3A_154 = arith.constant 0.000000e+00 : f32
      %max3A_155 = vector.broadcast %max3A_154 : f32 to vector<400x32xf32>
      %max3A_156 = arith.maximumf %max3A_155, %sub3A_153 : vector<400x32xf32>
      %broadcast_in_dim3A_157 = vector.shape_cast %max3A_156 : vector<400x32xf32> to vector<400x32x1xf32>
      %mul3A_158 = vector.broadcast %broadcast_in_dim3A_157 : vector<400x32x1xf32> to vector<400x32x128xf32>
      %mul3A_159 = arith.mulf %mul3A_158, %get3A_35 : vector<400x32x128xf32>
      %reduce_sum3A_160 = arith.constant dense<0.000000e+00> : vector<400x128xf32>
      %reduce_sum3A_161 = vector.multi_reduction <add>, %mul3A_159, %reduce_sum3A_160 [1] : vector<400x32x128xf32> to vector<400x128xf32>
      %get3A_162 = arith.index_cast %add3A_126 : i32 to index
      %get3A_163 = arith.constant 0 : index
      %get3A_164 = arith.constant 0 : index
      %get3A_165 = vector.load %arg7[%get3A_162, %get3A_163, %get3A_164] : memref<15x128x128xf32, #tpu.memory_space<vmem>>, vector<1x128x128xf32>
      %squeeze3A_166 = vector.shape_cast %get3A_165 : vector<1x128x128xf32> to vector<128x128xf32>
      %dot_general3A_167 = arith.constant dense<0.000000e+00> : vector<400x128xf32>
      %dot_general3A_168 = tpu.matmul %reduce_sum3A_161, %squeeze3A_166, %dot_general3A_167 {dimension_numbers = #tpu.dot_dimension_numbers<[1], [0], [0], [1], [0, 0, 1, 1], [], []>, transpose_lhs_hint = false} : vector<400x128xf32>, vector<128x128xf32>, vector<400x128xf32> -> vector<400x128xf32>
      %add3A_169 = arith.addf %add3A_122, %dot_general3A_168 : vector<400x128xf32>
      %mul3A_170 = arith.constant 5 : i32
      %mul3A_171 = arith.muli %scan3A_30, %mul3A_170 : i32
      %add3A_172 = arith.constant 3 : i32
      %add3A_173 = arith.addi %mul3A_171, %add3A_172 : i32
      %get3A_174 = arith.index_cast %add3A_173 : i32 to index
      %get3A_175 = arith.constant 0 : index
      %get3A_176 = memref.load %arg6[%get3A_174, %get3A_175] : memref<16x16xf32, #tpu.memory_space<smem>>
      %sub3A_177 = vector.broadcast %get3A_176 : f32 to vector<400x32xf32>
      %sub3A_178 = arith.subf %sub3A_11, %sub3A_177 : vector<400x32xf32>
      %get3A_179 = arith.index_cast %add3A_173 : i32 to index
      %get3A_180 = arith.constant 1 : index
      %get3A_181 = memref.load %arg6[%get3A_179, %get3A_180] : memref<16x16xf32, #tpu.memory_space<smem>>
      %sub3A_182 = vector.broadcast %get3A_181 : f32 to vector<400x32xf32>
      %sub3A_183 = arith.subf %sub3A_16, %sub3A_182 : vector<400x32xf32>
      %get3A_184 = arith.index_cast %add3A_173 : i32 to index
      %get3A_185 = arith.constant 2 : index
      %get3A_186 = memref.load %arg6[%get3A_184, %get3A_185] : memref<16x16xf32, #tpu.memory_space<smem>>
      %sub3A_187 = vector.broadcast %get3A_186 : f32 to vector<400x32xf32>
      %sub3A_188 = arith.subf %sub3A_21, %sub3A_187 : vector<400x32xf32>
      %mul3A_189 = arith.mulf %sub3A_178, %sub3A_178 : vector<400x32xf32>
      %mul3A_190 = arith.mulf %sub3A_183, %sub3A_183 : vector<400x32xf32>
      %add3A_191 = arith.addf %mul3A_189, %mul3A_190 : vector<400x32xf32>
      %mul3A_192 = arith.mulf %sub3A_188, %sub3A_188 : vector<400x32xf32>
      %add3A_193 = arith.addf %add3A_191, %mul3A_192 : vector<400x32xf32>
      %sqrt3A_194 = math.sqrt %add3A_193 : vector<400x32xf32>
      %mul3A_195 = arith.constant 2.000000e+00 : f32
      %mul3A_196 = vector.broadcast %mul3A_195 : f32 to vector<400x32xf32>
      %mul3A_197 = arith.mulf %sqrt3A_194, %mul3A_196 : vector<400x32xf32>
      %sub3A_198 = arith.constant 1.000000e+00 : f32
      %sub3A_199 = vector.broadcast %sub3A_198 : f32 to vector<400x32xf32>
      %sub3A_200 = arith.subf %sub3A_199, %mul3A_197 : vector<400x32xf32>
      %max3A_201 = arith.constant 0.000000e+00 : f32
      %max3A_202 = vector.broadcast %max3A_201 : f32 to vector<400x32xf32>
      %max3A_203 = arith.maximumf %max3A_202, %sub3A_200 : vector<400x32xf32>
      %broadcast_in_dim3A_204 = vector.shape_cast %max3A_203 : vector<400x32xf32> to vector<400x32x1xf32>
      %mul3A_205 = vector.broadcast %broadcast_in_dim3A_204 : vector<400x32x1xf32> to vector<400x32x128xf32>
      %mul3A_206 = arith.mulf %mul3A_205, %get3A_35 : vector<400x32x128xf32>
      %reduce_sum3A_207 = arith.constant dense<0.000000e+00> : vector<400x128xf32>
      %reduce_sum3A_208 = vector.multi_reduction <add>, %mul3A_206, %reduce_sum3A_207 [1] : vector<400x32x128xf32> to vector<400x128xf32>
      %get3A_209 = arith.index_cast %add3A_173 : i32 to index
      %get3A_210 = arith.constant 0 : index
      %get3A_211 = arith.constant 0 : index
      %get3A_212 = vector.load %arg7[%get3A_209, %get3A_210, %get3A_211] : memref<15x128x128xf32, #tpu.memory_space<vmem>>, vector<1x128x128xf32>
      %squeeze3A_213 = vector.shape_cast %get3A_212 : vector<1x128x128xf32> to vector<128x128xf32>
      %dot_general3A_214 = arith.constant dense<0.000000e+00> : vector<400x128xf32>
      %dot_general3A_215 = tpu.matmul %reduce_sum3A_208, %squeeze3A_213, %dot_general3A_214 {dimension_numbers = #tpu.dot_dimension_numbers<[1], [0], [0], [1], [0, 0, 1, 1], [], []>, transpose_lhs_hint = false} : vector<400x128xf32>, vector<128x128xf32>, vector<400x128xf32> -> vector<400x128xf32>
      %add3A_216 = arith.addf %add3A_169, %dot_general3A_215 : vector<400x128xf32>
      %mul3A_217 = arith.constant 5 : i32
      %mul3A_218 = arith.muli %scan3A_30, %mul3A_217 : i32
      %add3A_219 = arith.constant 4 : i32
      %add3A_220 = arith.addi %mul3A_218, %add3A_219 : i32
      %get3A_221 = arith.index_cast %add3A_220 : i32 to index
      %get3A_222 = arith.constant 0 : index
      %get3A_223 = memref.load %arg6[%get3A_221, %get3A_222] : memref<16x16xf32, #tpu.memory_space<smem>>
      %sub3A_224 = vector.broadcast %get3A_223 : f32 to vector<400x32xf32>
      %sub3A_225 = arith.subf %sub3A_11, %sub3A_224 : vector<400x32xf32>
      %get3A_226 = arith.index_cast %add3A_220 : i32 to index
      %get3A_227 = arith.constant 1 : index
      %get3A_228 = memref.load %arg6[%get3A_226, %get3A_227] : memref<16x16xf32, #tpu.memory_space<smem>>
      %sub3A_229 = vector.broadcast %get3A_228 : f32 to vector<400x32xf32>
      %sub3A_230 = arith.subf %sub3A_16, %sub3A_229 : vector<400x32xf32>
      %get3A_231 = arith.index_cast %add3A_220 : i32 to index
      %get3A_232 = arith.constant 2 : index
      %get3A_233 = memref.load %arg6[%get3A_231, %get3A_232] : memref<16x16xf32, #tpu.memory_space<smem>>
      %sub3A_234 = vector.broadcast %get3A_233 : f32 to vector<400x32xf32>
      %sub3A_235 = arith.subf %sub3A_21, %sub3A_234 : vector<400x32xf32>
      %mul3A_236 = arith.mulf %sub3A_225, %sub3A_225 : vector<400x32xf32>
      %mul3A_237 = arith.mulf %sub3A_230, %sub3A_230 : vector<400x32xf32>
      %add3A_238 = arith.addf %mul3A_236, %mul3A_237 : vector<400x32xf32>
      %mul3A_239 = arith.mulf %sub3A_235, %sub3A_235 : vector<400x32xf32>
      %add3A_240 = arith.addf %add3A_238, %mul3A_239 : vector<400x32xf32>
      %sqrt3A_241 = math.sqrt %add3A_240 : vector<400x32xf32>
      %mul3A_242 = arith.constant 2.000000e+00 : f32
      %mul3A_243 = vector.broadcast %mul3A_242 : f32 to vector<400x32xf32>
      %mul3A_244 = arith.mulf %sqrt3A_241, %mul3A_243 : vector<400x32xf32>
      %sub3A_245 = arith.constant 1.000000e+00 : f32
      %sub3A_246 = vector.broadcast %sub3A_245 : f32 to vector<400x32xf32>
      %sub3A_247 = arith.subf %sub3A_246, %mul3A_244 : vector<400x32xf32>
      %max3A_248 = arith.constant 0.000000e+00 : f32
      %max3A_249 = vector.broadcast %max3A_248 : f32 to vector<400x32xf32>
      %max3A_250 = arith.maximumf %max3A_249, %sub3A_247 : vector<400x32xf32>
      %broadcast_in_dim3A_251 = vector.shape_cast %max3A_250 : vector<400x32xf32> to vector<400x32x1xf32>
      %mul3A_252 = vector.broadcast %broadcast_in_dim3A_251 : vector<400x32x1xf32> to vector<400x32x128xf32>
      %mul3A_253 = arith.mulf %mul3A_252, %get3A_35 : vector<400x32x128xf32>
      %reduce_sum3A_254 = arith.constant dense<0.000000e+00> : vector<400x128xf32>
      %reduce_sum3A_255 = vector.multi_reduction <add>, %mul3A_253, %reduce_sum3A_254 [1] : vector<400x32x128xf32> to vector<400x128xf32>
      %get3A_256 = arith.index_cast %add3A_220 : i32 to index
      %get3A_257 = arith.constant 0 : index
      %get3A_258 = arith.constant 0 : index
      %get3A_259 = vector.load %arg7[%get3A_256, %get3A_257, %get3A_258] : memref<15x128x128xf32, #tpu.memory_space<vmem>>, vector<1x128x128xf32>
      %squeeze3A_260 = vector.shape_cast %get3A_259 : vector<1x128x128xf32> to vector<128x128xf32>
      %dot_general3A_261 = arith.constant dense<0.000000e+00> : vector<400x128xf32>
      %dot_general3A_262 = tpu.matmul %reduce_sum3A_255, %squeeze3A_260, %dot_general3A_261 {dimension_numbers = #tpu.dot_dimension_numbers<[1], [0], [0], [1], [0, 0, 1, 1], [], []>, transpose_lhs_hint = false} : vector<400x128xf32>, vector<128x128xf32>, vector<400x128xf32> -> vector<400x128xf32>
      %add3A_263 = arith.addf %add3A_216, %dot_general3A_262 : vector<400x128xf32>
      scf.yield %add3A_263 : vector<400x128xf32>
    }
    %scan3A_27 = arith.constant 3 : i32
    %swap3A = arith.constant 0 : index
    %swap3A_28 = arith.constant 0 : index
    %swap3A_29 = vector.load %arg8[%swap3A, %swap3A_28] : memref<400x128xf32, #tpu.memory_space<vmem>>, vector<400x128xf32>
    tpu.vector_store %arg8[%swap3A, %swap3A_28], %scan3A_26 {strides = array<i32>} : memref<400x128xf32, #tpu.memory_space<vmem>>, vector<400x128xf32>,
    return
  }
  func.func @transform_0(%arg0: i32) -> (i32, i32) {
    %c0_i32 = arith.constant 0 : i32
    %c0_i32_0 = arith.constant 0 : i32
    return %arg0, %c0_i32 : i32, i32
  }
  func.func @transform_1(%arg0: i32) -> (i32, i32) {
    %c0_i32 = arith.constant 0 : i32
    %c0_i32_0 = arith.constant 0 : i32
    return %arg0, %c0_i32 : i32, i32
  }
  func.func @transform_2(%arg0: i32) -> (i32, i32) {
    %c0_i32 = arith.constant 0 : i32
    %c0_i32_0 = arith.constant 0 : i32
    return %arg0, %c0_i32 : i32, i32
  }
  func.func @transform_3(%arg0: i32) -> (i32, i32) {
    %c0_i32 = arith.constant 0 : i32
    %c0_i32_0 = arith.constant 0 : i32
    return %arg0, %c0_i32 : i32, i32
  }
  func.func @transform_4(%arg0: i32) -> (i32, i32, i32) {
    %c0_i32 = arith.constant 0 : i32
    %c0_i32_0 = arith.constant 0 : i32
    %c0_i32_1 = arith.constant 0 : i32
    return %arg0, %c0_i32, %c0_i32_0 : i32, i32, i32
  }
  func.func @transform_5(%arg0: i32) -> (i32, i32) {
    %c0_i32 = arith.constant 0 : i32
    %c0_i32_0 = arith.constant 0 : i32
    %c0_i32_1 = arith.constant 0 : i32
    return %c0_i32, %c0_i32_0 : i32, i32
  }
  func.func @transform_6(%arg0: i32) -> (i32, i32, i32) {
    %c0_i32 = arith.constant 0 : i32
    %c0_i32_0 = arith.constant 0 : i32
    %c0_i32_1 = arith.constant 0 : i32
    %c0_i32_2 = arith.constant 0 : i32
    return %c0_i32, %c0_i32_0, %c0_i32_1 : i32, i32, i32
  }
  func.func @transform_7(%arg0: i32) -> (i32, i32) {
    %c0_i32 = arith.constant 0 : i32
    %c0_i32_0 = arith.constant 0 : i32
    return %arg0, %c0_i32 : i32, i32
  }
}

</mosaic_0001>

<sc_bundles>
// kernel: kernel.4.cloned.1.call-start
scs
__scs_entry_jumppad:
0x0: {  	(pc) =	sbr.rel $0x88, $3  }
0x1: {  	(tag) =	ssettag $0x0;
	lr =	simm.s32 $0x1  }
0x2: {  	[smem:$0x3F9B] =	sst lr;
	_ =	strace $0xD0000000  }
0x3: {  	_ = 	snop  }
0x4: {  	_ = 	snop  }
0x5: {  	_ = 	snop  }
0x6: {  	_ = 	snop  }
0x7: {  	_ = 	snop  }
__scs_overlays_trampoline_lowered:
0x8: {  	[smem:$0x3FAA] =	sst s0  }
0x9: {  	[smem:$0x3FAB] =	sst s1  }
0xa: {  	[smem:$0x3FAC] =	sst s2  }
0xb: {  	[smem:$0x3FAD] =	sst s3  }
0xc: {  	[smem:$0x3FAE] =	sst s4  }
0xd: {  	[smem:$0x3FAF] =	sst s5  }
0xe: {  	[smem:$0x3FB0] =	sst s6  }
0xf: {  	[smem:$0x3FB1] =	sst s7  }
0x10: {  	[smem:$0x3FB2] =	sst s8  }
0x11: {  	[smem:$0x3FB3] =	sst s9;
	s0 =	simm.s32 @!p0 $0x0  }
0x12: {  	s1 =	sld [smem:$0x3F99];
	s0 =	simm.s32 @p0 $0x1  }
0x13: {  	[smem:$0x3FB4] =	sst s0;
	s0 =	simm.s32 @!p1 $0x0  }
0x14: {  	s2 =	sld [smem:$0x3F98];
	s0 =	simm.s32 @p1 $0x1  }
0x15: {  	[smem:$0x3FB5] =	sst s0;
	s0 =	simm.s32 @!p2 $0x0  }
0x16: {  	s3 =	sld [smem:$0x3FDB];
	s0 =	simm.s32 @p2 $0x1  }
0x17: {  	s4 =	simm.s32 $0x1BF5;
	[smem:$0x3FB7] =	sst s0  }
0x18: {  	s0 =	sld [smem:$0x3F9A];
	_ =	swait.ge [sflag:s4], $0x0  }
0x19: {  	s7 =	sld [smem:$0x3F9B]  }
0x1a: {  	s8 =	sadd.s32 $0xFFFFE003, lr  }
0x1b: {  	s9 =	sadd.s32 $0xFFFFFEF7, lr;
	s5 =	simm.s32 $0xFFFFFFFF;
	p2 =	slt.u32 s8, $0xFFFFF086  }
0x1c: {  	p1 =	slt.u32 s9, $0xF7A;
	s5 =	simm.s32 @!p2 $0x0  }
0x1d: {  	s5 =	simm.s32 @p1 $0x1;
	p0 =	seq.s32 s7, s2  }
0x1e: {  	s7 =	smul.u32 @!p0 $0xF7A, s2;
	p2 =	seq.s32 @!p0 s5, $0x0  }
0x1f: {  	s9 =	smul.u32 $0xF7A, s1;
	s8 =	simm.s32 @!p0 $0x1BF5;
	p2 =	por !p2, p0  }
0x20: {  	[sflag:s8] =	ssyncset.s32 @!p0 $0xFFFFF086;
	s6 =	sadd.s32 @!p0 s3, s7;
	s7 =	simm.s32 @!p0 $0x108  }
0x21: {  	s3 =	sadd.s32 s3, s9;
	s6 =	sadd.s32 @!p0 $0x88, s6;
	s7 =	simm.s32 @p2 $0x1082  }
0x22: {  	[simem:s7], [sflag:s8] =	dma.local @!p0 [hbm:s6], $0xF7A  }
0x23: {  	s9 =	sor.u32 $0xD0000000, s2;
	s6 =	simm.s32 $0x108;
	_ =	swait.ge @!p0 [sflag:s8], $0x0  }
0x24: {  	s3 =	sadd.s32 $0x88, s3;
	s6 =	simm.s32 @!p1 $0x1082;
	[sflag:s4] =	ssyncset.s32 $0xFFFFF086  }
0x25: {  	[simem:s6], [sflag:s4] =	dma.local [hbm:s3], $0xF7A  }
0x26: {  	[smem:$0x3F9B] =	sst s1;
	(tag) =	ssettag s2;
	_ =	strace s9  }
0x27: {  	s1 =	sld [smem:$0x3FAB]  }
0x28: {  	s2 =	sld [smem:$0x3FAC]  }
0x29: {  	s4 =	sld [smem:$0x3FAE]  }
0x2a: {  	p0 =	seq.s32 s5, $0x0;
	s5 =	sld [smem:$0x3FAF]  }
0x2b: {  	s6 =	sld [smem:$0x3FB0]  }
0x2c: {  	s7 =	sld [smem:$0x3FB1]  }
0x2d: {  	s3 =	simm.s32 $0x108;
	s8 =	sld [smem:$0x3FB2]  }
0x2e: {  	s3 =	simm.s32 @!p0 $0x1082;
	s9 =	sld [smem:$0x3FB3]  }
0x2f: {  	lr =	sadd.s32 s0, s3;
	s0 =	sld [smem:$0x3FAA]  }
0x30: {  	s3 =	sld [smem:$0x3FAD]  }
0x31: {  	[smem:$0x3FB6] =	sst s10  }
0x32: {  	s10 =	sld [smem:$0x3FB4];
	_ =	sdelay $0x3  }
0x33: {  	p0 =	seq.s32 s10, $0x1;
	s10 =	sld [smem:$0x3FB6];
	_ =	sdelay $0x3  }
0x34: {  	[smem:$0x3FB6] =	sst s10  }
0x35: {  	s10 =	sld [smem:$0x3FB5];
	_ =	sdelay $0x3  }
0x36: {  	p1 =	seq.s32 s10, $0x1;
	s10 =	sld [smem:$0x3FB6];
	_ =	sdelay $0x3  }
0x37: {  	[smem:$0x3FB6] =	sst s10  }
0x38: {  	s10 =	sld [smem:$0x3FB7]  }
0x39: {  	_ = 	snop;
	(pc) =	sbr.ind lr, $3  }
0x3a: {  	_ = 	snop  }
0x3b: {  	_ = 	snop  }
0x3c: {  	p2 =	seq.s32 s10, $0x1;
	s10 =	sld [smem:$0x3FB6]  }
0x3d: {  	_ =	shalt  }
0x3e: {  	_ =	shalt  }
0x3f: {  	_ =	shalt  }
0x40: {  	_ =	shalt  }
0x41: {  	_ =	shalt  }
0x42: {  	_ =	shalt  }
0x43: {  	_ =	shalt  }
0x44: {  	_ =	shalt  }
0x45: {  	_ =	shalt  }
0x46: {  	_ =	shalt  }
0x47: {  	_ =	shalt  }
0x48: {  	_ =	shalt  }
0x49: {  	_ =	shalt  }
0x4a: {  	_ =	shalt  }
0x4b: {  	_ =	shalt  }
0x4c: {  	_ =	shalt  }
0x4d: {  	_ =	shalt  }
0x4e: {  	_ =	shalt  }
0x4f: {  	_ =	shalt  }
0x50: {  	_ =	shalt  }
0x51: {  	_ =	shalt  }
0x52: {  	_ =	shalt  }
0x53: {  	_ =	shalt  }
0x54: {  	_ =	shalt  }
0x55: {  	_ =	shalt  }
0x56: {  	_ =	shalt  }
0x57: {  	_ =	shalt  }
0x58: {  	_ =	shalt  }
0x59: {  	_ =	shalt  }
0x5a: {  	_ =	shalt  }
0x5b: {  	_ =	shalt  }
0x5c: {  	_ =	shalt  }
0x5d: {  	_ =	shalt  }
0x5e: {  	_ =	shalt  }
0x5f: {  	_ =	shalt  }
0x60: {  	_ =	shalt  }
0x61: {  	_ =	shalt  }
0x62: {  	_ =	shalt  }
0x63: {  	_ =	shalt  }
0x64: {  	_ =	shalt  }
0x65: {  	_ =	shalt  }
0x66: {  	_ =	shalt  }
0x67: {  	_ =	shalt  }
0x68: {  	_ =	shalt  }
0x69: {  	_ =	shalt  }
0x6a: {  	_ =	shalt  }
0x6b: {  	_ =	shalt  }
0x6c: {  	_ =	shalt  }
0x6d: {  	_ =	shalt  }
0x6e: {  	_ =	shalt  }
0x6f: {  	_ =	shalt  }
0x70: {  	_ =	shalt  }
0x71: {  	_ =	shalt  }
0x72: {  	_ =	shalt  }
0x73: {  	_ =	shalt  }
0x74: {  	_ =	shalt  }
0x75: {  	_ =	shalt  }
0x76: {  	_ =	shalt  }
0x77: {  	_ =	shalt  }
0x78: {  	_ =	shalt  }
0x79: {  	_ =	shalt  }
0x7a: {  	_ =	shalt  }
0x7b: {  	_ =	shalt  }
0x7c: {  	_ =	shalt  }
0x7d: {  	_ =	shalt  }
0x7e: {  	_ =	shalt  }
0x7f: {  	_ =	shalt  }
0x80: {  	_ =	shalt  }
0x81: {  	_ =	shalt  }
0x82: {  	_ =	shalt  }
0x83: {  	_ =	shalt  }
0x84: {  	_ =	shalt  }
0x85: {  	_ =	shalt  }
0x86: {  	_ =	shalt  }
0x87: {  	_ =	shalt  }
.Lfunc_end0:
.L_simem_size_0:
called_computation_lowered:
.L_overlay_start_0:
0x88: {  	s2 =	sld [smem:$0x3FD9]  }
0x89: {  	s3 =	sld [smem:$0x3FFE];
	_ =	sdelay $0x1  }
0x8a: {  	s1 =	srdreg.scid  }
0x8b: {  	s0 =	sand.u32 $0x1, s1  }
0x8c: {  	s17 =	sshll.u32 s0, $0xA;
	s2 =	sadd.s32 s3, s2  }
0x8d: {  	s2 =	sadd.s32 s2, s17  }
0x8e: {  	[smem:$0x3FC2] =	sst s2  }
0x8f: {  	_ = 	snop  }
0x90: {  	s2 =	sld [smem:$0x3FC6]  }
0x91: {  	s18 =	sld [smem:$0x3FD0];
	(tm) =	ssettm $0x1  }
0x92: {  	s4 =	sld [smem:$0x3FFB];
	_ =	sdelay $0x3  }
0x93: {  	_ =	strace s4  }
0x94: {  	s4 =	sld [smem:$0x3FFC];
	_ =	sdelay $0x3  }
0x95: {  	_ =	strace s4  }
0x96: {  	s4 =	sld [smem:$0x3FFD];
	_ =	sdelay $0x3  }
0x97: {  	_ =	strace s4  }
0x98: {  	_ =	strace $0x8FFFFFFF  }
0x99: {  	s19 =	sld [smem:$0x3FDB];
	_ =	sdelay $0x1  }
0x9a: {  	s5 =	simm.s32 $_scs_section_size  }
0x9b: {  	s6 =	simm.s32 $_size__tile_overlayer_lowered;
	s7 =	simm.s32 $_tile_overlayer_lowered  }
0x9c: {  	s22 =	simm.s32 $0x1BFF;
	s21 =	sshll.u32 s7, $0x1;
	s4 =	sadd.s32 s5, s19  }
0x9d: {  	s8 =	simm.s32 $0x0;
	s20 =	sshll.u32 s6, $0x1;
	s6 =	sadd.s32 s21, s4  }
0x9e: {  	[timem:s8], [sflag:s22] =	dma.local [hbm:s6], s20  }
0x9f: {  	_ =	swait.ge [sflag:s22], s20  }
0xa0: {  	s5 =	ssub.s32 $0x0, s20;
	[sflag:s22] =	ssyncset.done $0x0  }
0xa1: {  	[sflag:s22] =	ssyncadd.s32 s5;
	_ =	sdelay $0x1  }
0xa2: {  	s23 =	simm.s32 $0x1B8B  }
0xa3: {  	_ =	swait.ge [sflag:s23], $0x1  }
0xa4: {  	[sflag:s23] =	ssyncset.done $0x0  }
0xa5: {  	s25 =	simm.s32 $0x1B8E;
	s24 =	sld [smem:$0x3FFE];
	[sflag:s23] =	ssyncadd.s32 $0xFFFFFFFF  }
0xa6: {  	s26 =	simm.s32 $execute0_lowered;
	[smem:$0x3FD2] =	sst s25  }
0xa7: {  	s6 =	sshll.u32 s26, $0x1;
	_ =	strace $0x80000046;
	[dreg:$0x1] =	wrdreg $0xFFFFFFFF  }
0xa8: {  	s28 =	simm.s32 $_size_execute0_lowered;
	s4 =	sadd.s32 s4, s6;
	[dreg:$0x0] =	wrdreg $0x0  }
0xa9: {  	s6 =	sshll.u32 s28, $0x1;
	[dreg:$0x2] =	wrdreg s4  }
0xaa: {  	[dreg:$0x3] =	wrdreg s6  }
0xab: {  	[dreg:$0x4] =	wrdreg $0xC0  }
0xac: {  	_ =	task [dreg:s8], $0x5FFFF  }
0xad: {  	[dreg:$0x1] =	wrdreg $0xFFFFFFFF  }
0xae: {  	[dreg:$0x0] =	wrdreg $0x60  }
0xaf: {  	[dreg:$0x2] =	wrdreg s2  }
0xb0: {  	[dreg:$0x3] =	wrdreg s24  }
0xb1: {  	[dreg:$0x4] =	wrdreg s18  }
0xb2: {  	[dreg:$0x5] =	wrdreg $0x9  }
0xb3: {  	_ =	task.clear_ibuf [dreg:s8], $0x6FFFF;
	_ =	strace $0x90000046  }
0xb4: {  	s29 =	simm.s32 $0x9;
	_ =	strace $0x80000048  }
0xb5: {  	_ =	swait.ge [sflag:s29], $0x1  }
0xb6: {  	[sflag:s29] =	ssyncadd.s32 $0xFFFFFFFF  }
0xb7: {  	_ =	strace $0x90000048  }
0xb8: {  	_ =	sfence  }
0xb9: {  	s30 =	sld [smem:$0x0];
	_ =	sdelay $0x2  }
0xba: {  	s31 =	sshll.u32 s1, $0xD;
	s1 =	sshrl.u32 s1, $0x2  }
0xbb: {  	s3 =	sand.u32 $0x4000, s31;
	s1 =	sadd.s32 s1, s30  }
0xbc: {  	s0 =	sor.u32 s3, s0;
	s1 =	sshll.u32 s1, $0x11  }
0xbd: {  	s0 =	sor.u32 s1, s0  }
0xbe: {  	s0 =	sadd.s32 $0x8F2B, s0  }
0xbf: {  	[sflag:s0] =	ssyncadd.remote.s32 $0x1  }
0xc0: {  	_ =	sfence.sel $0xFFFF  }
0xc1: {  	[dreg:$0x0] =	wrdreg $0xFFFFFFFF;
	(pc) =	sbr.abs _section_cstart, $3  }
0xc2: {  	[dreg:$0x1] =	wrdreg $0xFFFFFFFF  }
0xc3: {  	_ =	task.clear_ibuf [dreg:s8], $0x2FFFF;
	_ =	strace $0x9FFFFFFF  }
0xc4: {  	(tm) =	ssettm $0x7FFFFFFF  }
0xc5: {  	_ =	shalt  }
tec
execute0_lowered:
.L_overlay_start_1:
0x0: {  	(tag) =	ssettag $0x1  }
0x1: {  	s1 =	rddreg [dreg:$0x0]  }
0x2: {  	s0 =	rddreg [dreg:$0x1]  }
0x3: {  	s2 =	rddreg [dreg:$0x2]  }
0x4: {  	s4 =	srdreg.scid;
	s14 =	stileid.u32;
	s3 =	simm.s32 $0x0  }
0x5: {  	s15 =	simm.s32 $0x2780;
	s16 =	simm.s32 $0x4F00;
	s17 =	simm.s32 $0x7680  }
0x6: {  	s21 =	simm.s32 $0x50;
	s22 =	simm.s32 $0x11480;
	s23 =	simm.s32 $0x13C80  }
0x7: {  	s28 =	simm.s32 $0x2;
	s29 =	simm.s32 $0x3;
	s30 =	simm.s32 $0x4  }
0x8: {  	s10 =	sand.u32 $0x1, s4;
	s24 =	sshll.u32 s14, $0x1;
	[smem:$0x7FF] =	sst s3  }
0x9: {  	s4 =	sadd.s32 $0x1000, s0;
	s5 =	sadd.s32 $0xA00, s0;
	s6 =	sadd.s32 $0x400, s0  }
0xa: {  	s11 =	sadd.s32 $0x1F000, s0;
	s25 =	smul.u32 $0x4E200, s14;
	s7 =	sor.u32 s10, s24  }
0xb: {  	s14 =	simm.s32 $0x5;
	s9 =	ssub.s32 $0x2, s10;
	s8 =	smul.u32 $0x2710, s7  }
0xc: {  	_ =	strace $0x80000047;
	s12 =	sshrl.u32 s9, $0x1;
	s13 =	smul.u32 $0x138800, s7  }
0xd: {  	s26 =	smul.u32 $0x27100, s10;
	s24 =	simm.s32 $0x16480;
	s12 =	ssub.s32 s9, s12  }
0xe: {  	s8 =	sshrl.u32 s8, $0x3;
	s13 =	sshrl.u32 s13, $0x3;
	s12 =	smax.u32 s12, $0x1  }
0xf: {  	s0 =	sadd.s32 s8, s0;
	s7 =	sadd.s32 s2, s8;
	s31 =	sadd.s32 s11, s13  }
0x10: {  	s2 =	sadd.s32 s25, s11;
	s25 =	simm.s32 $0x18C80;
	s8 =	sadd.s32 $0x1600, s0  }
0x11: {  	s9 =	sadd.s32 $0xB400, s0;
	s10 =	sadd.s32 $0x15200, s0;
	s11 =	sadd.s32 $0x26C00, s31  }
0x12: {  	s13 =	sadd.s32 s26, s2;
	s26 =	simm.s32 $0x1;
	s0 =	simm.s32 $0x0  }
.LBB2_1:
0x13: {  	[tilespmem:s3], [sflag:$0x5] =	stream.linear.gather [hbm4b:s7+s3], $0x2710, $0x38;
	[tilespmem:$0x1B480] =	vst v63  }
0x14: {  	_ =	swait.ge [sflag:s14], $0x2710  }
0x15: {  	[sflag:s14] =	ssyncset.done $0x0  }
0x16: {  	[sflag:s14] =	ssyncadd.s32 $0xFFFFD8F0  }
0x17: {  	[tilespmem:s15], [sflag:$0x5] =	stream.linear.gather [hbm4b:s4+s3], $0x2780, $0x38;
	[tilespmem:$0x1B480] =	vst v63  }
0x18: {  	_ =	swait.ge [sflag:s14], $0x2780  }
0x19: {  	[sflag:s14] =	ssyncset.done $0x0  }
0x1a: {  	[sflag:s14] =	ssyncadd.s32 $0xFFFFD880  }
0x1b: {  	[tilespmem:s16], [sflag:$0x5] =	stream.linear.gather [hbm4b:s5+s3], $0x2780, $0x38;
	[tilespmem:$0x1B480] =	vst v63  }
0x1c: {  	_ =	swait.ge [sflag:s14], $0x2780  }
0x1d: {  	[sflag:s14] =	ssyncset.done $0x0  }
0x1e: {  	[sflag:s14] =	ssyncadd.s32 $0xFFFFD880  }
0x1f: {  	[tilespmem:s17], [sflag:$0x5] =	stream.linear.gather [hbm4b:s6+s3], $0x2780, $0x38;
	[tilespmem:$0x1B480] =	vst v63  }
0x20: {  	_ =	swait.ge [sflag:s14], $0x2780  }
0x21: {  	[sflag:s14] =	ssyncset.done $0x0  }
0x22: {  	s2 =	simm.s32 $0x0;
	[sflag:s14] =	ssyncadd.s32 $0xFFFFD880  }
0x23: {  	v0 =	vld [tilespmem:s2+$0x0];
	_ =	sdelay $0x7  }
0x24: {  	v1 =	vld.idx.msk [tilespmem:v0+s15+$0x0], $0xffff;
	_ =	sdelay $0x4  }
0x25: {  	[tilespmem:s2+$0x9E00] =	vst v1  }
0x26: {  	v1 =	vld.idx.msk [tilespmem:v0+s16+$0x0], $0xffff;
	_ =	sdelay $0x3  }
0x27: {  	s19 =	simm.s32 $0x10;
	s18 =	simm.s32 $0x80  }
.LBB2_2:
0x28: {  	p0 =	sne.s32 s18, $0x9C00;
	v2 =	vld [tilespmem:s19+$0x0];
	[tilespmem:s2+$0xC580] =	vst v1  }
0x29: {  	v1 =	vld.idx.msk [tilespmem:v0+s17+$0x0], $0xffff;
	_ =	sdelay $0x3  }
0x2a: {  	v0 =	vmov v2;
	_ =	sdelay $0x1  }
0x2b: {  	[tilespmem:s2+$0xED00] =	vst v1;
	s2 =	smov.u32 s19  }
0x2c: {  	v1 =	vld.idx.msk [tilespmem:v2+s15+$0x0], $0xffff;
	_ =	sdelay $0x5  }
0x2d: {  	[tilespmem:s2+$0x9E00] =	vst v1  }
0x2e: {  	v1 =	vld.idx.msk [tilespmem:v2+s16+$0x0], $0xffff  }
.Ltmp0:
0x2f: {  	(pc) =	sbr.rel @p0 .LBB2_2-.Ltmp0, $2  }
0x30: {  	_ =	sdelay $0x2  }
0x31: {  	s19 =	sshra.s32 s18, $0x2;
	s18 =	sadd.s32 $0x40, s18  }
0x32: {  	_ =	sdelay $0x1  }
0x33: {  	v2 =	vld [tilespmem:s19+$0x0]  }
0x34: {  	[tilespmem:s2+$0xC580] =	vst v1  }
0x35: {  	v0 =	vld.idx.msk [tilespmem:v0+s17+$0x0], $0xffff;
	_ =	sdelay $0x4  }
0x36: {  	[tilespmem:s2+$0xED00] =	vst v0  }
0x37: {  	v0 =	vld.idx.msk [tilespmem:v2+s15+$0x0], $0xffff;
	_ =	sdelay $0x4  }
0x38: {  	[tilespmem:s19+$0x9E00] =	vst v0  }
0x39: {  	v0 =	vld.idx.msk [tilespmem:v2+s16+$0x0], $0xffff;
	_ =	sdelay $0x4  }
0x3a: {  	[tilespmem:s19+$0xC580] =	vst v0  }
0x3b: {  	v0 =	vld.idx.msk [tilespmem:v2+s17+$0x0], $0xffff;
	_ =	sdelay $0x4  }
0x3c: {  	s18 =	simm.s32 $0x9E00;
	[tilespmem:s19+$0xED00] =	vst v0;
	s19 =	simm.s32 $0x0  }
0x3d: {  	[hbm4b:s8+s19] =	stream.linear.scatter [tilespmem:s18], [sflag:$0x5], $0x2710, $0x38;
	[tilespmem:$0x1B480] =	vst v63  }
0x3e: {  	_ =	swait.ge [sflag:s14], $0x2710  }
0x3f: {  	[sflag:s14] =	ssyncset.done $0x0  }
0x40: {  	s20 =	simm.s32 $0xC580;
	[sflag:s14] =	ssyncadd.s32 $0xFFFFD8F0  }
0x41: {  	[hbm4b:s9+s19] =	stream.linear.scatter [tilespmem:s20], [sflag:$0x5], $0x2710, $0x38;
	[tilespmem:$0x1B480] =	vst v63  }
0x42: {  	_ =	swait.ge [sflag:s14], $0x2710  }
0x43: {  	[sflag:s14] =	ssyncset.done $0x0  }
0x44: {  	s31 =	simm.s32 $0xED00;
	[sflag:s14] =	ssyncadd.s32 $0xFFFFD8F0  }
0x45: {  	[hbm4b:s10+s19] =	stream.linear.scatter [tilespmem:s31], [sflag:$0x5], $0x2710, $0x38;
	[tilespmem:$0x1B480] =	vst v63  }
0x46: {  	_ =	swait.ge [sflag:s14], $0x2710  }
0x47: {  	[sflag:s14] =	ssyncset.done $0x0  }
0x48: {  	s19 =	simm.s32 $0x0;
	[sflag:s14] =	ssyncadd.s32 $0xFFFFD8F0  }
0x49: {  	[tilespmem:s22], [sflag:$0x1] =	stream.indirect.gather [hbm4b:s1+s21], $0x80, s19, s21, $0xb8;
	[tilespmem:$0x1B480] =	vst v63  }
0x4a: {  	s20 =	simm.s32 $0x50  }
0x4b: {  	[tilespmem:s23], [sflag:$0x2] =	stream.indirect.gather [hbm4b:s1+s21], $0x80, s20, s21, $0xb8;
	[tilespmem:$0x1B480] =	vst v63  }
0x4c: {  	s31 =	simm.s32 $0xA0  }
0x4d: {  	[tilespmem:s24], [sflag:$0x3] =	stream.indirect.gather [hbm4b:s1+s21], $0x80, s31, s21, $0xb8;
	[tilespmem:$0x1B480] =	vst v63  }
0x4e: {  	s18 =	simm.s32 $0xF0  }
0x4f: {  	[tilespmem:s25], [sflag:$0x4] =	stream.indirect.gather [hbm4b:s1+s21], $0x80, s18, s21, $0xb8;
	[tilespmem:$0x1B480] =	vst v63  }
0x50: {  	_ =	swait.ge [sflag:s26], $0x2800  }
0x51: {  	[sflag:s26] =	ssyncset.done $0x0  }
0x52: {  	s19 =	sadd.s32 $0x0, s13;
	[sflag:s26] =	ssyncadd.s32 $0xFFFFD800  }
0x53: {  	[hbm4b:s19+s3] =	stream.linear.scatter [tilespmem:s22], [sflag:$0x5], $0x2800, $0x38;
	[tilespmem:$0x1B480] =	vst v63  }
0x54: {  	_ =	swait.ge [sflag:s14], $0x2800  }
0x55: {  	[sflag:s14] =	ssyncset.done $0x0  }
0x56: {  	[sflag:s14] =	ssyncadd.s32 $0xFFFFD800  }
0x57: {  	_ =	swait.ge [sflag:s28], $0x2800  }
0x58: {  	[sflag:s28] =	ssyncset.done $0x0  }
0x59: {  	s20 =	sadd.s32 $0x500, s19;
	[sflag:s28] =	ssyncadd.s32 $0xFFFFD800  }
0x5a: {  	[hbm4b:s20+s3] =	stream.linear.scatter [tilespmem:s23], [sflag:$0x5], $0x2800, $0x38;
	[tilespmem:$0x1B480] =	vst v63  }
0x5b: {  	_ =	swait.ge [sflag:s14], $0x2800  }
0x5c: {  	[sflag:s14] =	ssyncset.done $0x0  }
0x5d: {  	[sflag:s14] =	ssyncadd.s32 $0xFFFFD800  }
0x5e: {  	_ =	swait.ge [sflag:s29], $0x2800  }
0x5f: {  	[sflag:s29] =	ssyncset.done $0x0  }
0x60: {  	s31 =	sadd.s32 $0xA00, s19;
	[sflag:s29] =	ssyncadd.s32 $0xFFFFD800  }
0x61: {  	[hbm4b:s31+s3] =	stream.linear.scatter [tilespmem:s24], [sflag:$0x5], $0x2800, $0x38;
	[tilespmem:$0x1B480] =	vst v63  }
0x62: {  	_ =	swait.ge [sflag:s14], $0x2800  }
0x63: {  	[sflag:s14] =	ssyncset.done $0x0  }
0x64: {  	[sflag:s14] =	ssyncadd.s32 $0xFFFFD800  }
0x65: {  	_ =	swait.ge [sflag:s30], $0x2800  }
0x66: {  	[sflag:s30] =	ssyncset.done $0x0  }
0x67: {  	s2 =	sadd.s32 $0xF00, s19;
	[sflag:s30] =	ssyncadd.s32 $0xFFFFD800  }
0x68: {  	[hbm4b:s2+s3] =	stream.linear.scatter [tilespmem:s25], [sflag:$0x5], $0x2800, $0x38;
	[tilespmem:$0x1B480] =	vst v63  }
0x69: {  	s18 =	simm.s32 $0x230;
	_ =	swait.ge [sflag:s14], $0x2800  }
0x6a: {  	s19 =	simm.s32 $0x2800;
	s2 =	simm.s32 $0x1400;
	[sflag:s14] =	ssyncset.done $0x0  }
.LBB2_4:
0x6b: {  	p0 =	sne.s32 s19, $0x25800;
	s20 =	sadd.s32 $0xFFFFFF10, s18;
	[sflag:s14] =	ssyncadd.s32 $0xFFFFD800  }
0x6c: {  	[tilespmem:s22], [sflag:$0x1] =	stream.indirect.gather [hbm4b:s1+s21], $0x80, s20, s21, $0xb8;
	[tilespmem:$0x1B480] =	vst v63  }
0x6d: {  	s31 =	smov.u32 s19;
	s19 =	sadd.s32 $0x1400, s19;
	s20 =	sadd.s32 $0xFFFFFF60, s18  }
0x6e: {  	[tilespmem:s23], [sflag:$0x2] =	stream.indirect.gather [hbm4b:s1+s21], $0x80, s20, s21, $0xb8;
	[tilespmem:$0x1B480] =	vst v63  }
0x6f: {  	s20 =	sadd.s32 $0xFFFFFFB0, s18  }
0x70: {  	[tilespmem:s24], [sflag:$0x3] =	stream.indirect.gather [hbm4b:s1+s21], $0x80, s20, s21, $0xb8;
	[tilespmem:$0x1B480] =	vst v63  }
0x71: {  	_ = 	snop  }
0x72: {  	[tilespmem:s25], [sflag:$0x4] =	stream.indirect.gather [hbm4b:s1+s21], $0x80, s18, s21, $0xb8;
	[tilespmem:$0x1B480] =	vst v63  }
0x73: {  	_ =	swait.ge [sflag:s26], $0x2800  }
0x74: {  	[sflag:s26] =	ssyncset.done $0x0  }
0x75: {  	s20 =	sadd.s32 s2, s13;
	s2 =	smov.u32 s31;
	[sflag:s26] =	ssyncadd.s32 $0xFFFFD800  }
0x76: {  	[hbm4b:s20+s3] =	stream.linear.scatter [tilespmem:s22], [sflag:$0x5], $0x2800, $0x38;
	[tilespmem:$0x1B480] =	vst v63  }
0x77: {  	_ =	swait.ge [sflag:s14], $0x2800  }
0x78: {  	[sflag:s14] =	ssyncset.done $0x0  }
0x79: {  	[sflag:s14] =	ssyncadd.s32 $0xFFFFD800  }
0x7a: {  	_ =	swait.ge [sflag:s28], $0x2800  }
0x7b: {  	[sflag:s28] =	ssyncset.done $0x0  }
0x7c: {  	s31 =	sadd.s32 $0x500, s20;
	[sflag:s28] =	ssyncadd.s32 $0xFFFFD800  }
0x7d: {  	[hbm4b:s31+s3] =	stream.linear.scatter [tilespmem:s23], [sflag:$0x5], $0x2800, $0x38;
	[tilespmem:$0x1B480] =	vst v63  }
0x7e: {  	_ =	swait.ge [sflag:s14], $0x2800  }
0x7f: {  	[sflag:s14] =	ssyncset.done $0x0  }
0x80: {  	[sflag:s14] =	ssyncadd.s32 $0xFFFFD800  }
0x81: {  	_ =	swait.ge [sflag:s29], $0x2800  }
0x82: {  	[sflag:s29] =	ssyncset.done $0x0  }
0x83: {  	s31 =	sadd.s32 $0xA00, s20;
	[sflag:s29] =	ssyncadd.s32 $0xFFFFD800  }
0x84: {  	[hbm4b:s31+s3] =	stream.linear.scatter [tilespmem:s24], [sflag:$0x5], $0x2800, $0x38;
	[tilespmem:$0x1B480] =	vst v63  }
0x85: {  	_ =	swait.ge [sflag:s14], $0x2800  }
0x86: {  	[sflag:s14] =	ssyncset.done $0x0  }
0x87: {  	[sflag:s14] =	ssyncadd.s32 $0xFFFFD800  }
0x88: {  	_ =	swait.ge [sflag:s30], $0x2800  }
.Ltmp1:
0x89: {  	[sflag:s30] =	ssyncset.done $0x0;
	(pc) =	sbr.rel @p0 .LBB2_4-.Ltmp1, $4  }
0x8a: {  	s20 =	sadd.s32 $0xF00, s20;
	[sflag:s30] =	ssyncadd.s32 $0xFFFFD800  }
0x8b: {  	[hbm4b:s20+s3] =	stream.linear.scatter [tilespmem:s25], [sflag:$0x5], $0x2800, $0x38;
	[tilespmem:$0x1B480] =	vst v63  }
0x8c: {  	_ =	swait.ge [sflag:s14], $0x2800  }
0x8d: {  	s18 =	sadd.s32 $0x140, s18;
	[sflag:s14] =	ssyncset.done $0x0  }
0x8e: {  	s19 =	sadd.s32 $0xFFFFFF10, s18;
	[sflag:s14] =	ssyncadd.s32 $0xFFFFD800  }
0x8f: {  	[tilespmem:s22], [sflag:$0x1] =	stream.indirect.gather [hbm4b:s1+s21], $0x80, s19, s21, $0xb8;
	[tilespmem:$0x1B480] =	vst v63  }
0x90: {  	s20 =	sadd.s32 $0xFFFFFF60, s18  }
0x91: {  	[tilespmem:s23], [sflag:$0x2] =	stream.indirect.gather [hbm4b:s1+s21], $0x80, s20, s21, $0xb8;
	[tilespmem:$0x1B480] =	vst v63  }
0x92: {  	s31 =	sadd.s32 $0xFFFFFFB0, s18  }
0x93: {  	[tilespmem:s24], [sflag:$0x3] =	stream.indirect.gather [hbm4b:s1+s21], $0x80, s31, s21, $0xb8;
	[tilespmem:$0x1B480] =	vst v63  }
0x94: {  	_ = 	snop  }
0x95: {  	[tilespmem:s25], [sflag:$0x4] =	stream.indirect.gather [hbm4b:s1+s21], $0x80, s18, s21, $0xb8;
	[tilespmem:$0x1B480] =	vst v63  }
0x96: {  	_ =	swait.ge [sflag:s26], $0x2800  }
0x97: {  	[sflag:s26] =	ssyncset.done $0x0  }
0x98: {  	s2 =	sadd.s32 s2, s13;
	[sflag:s26] =	ssyncadd.s32 $0xFFFFD800  }
0x99: {  	[hbm4b:s2+s3] =	stream.linear.scatter [tilespmem:s22], [sflag:$0x5], $0x2800, $0x38;
	[tilespmem:$0x1B480] =	vst v63  }
0x9a: {  	_ =	swait.ge [sflag:s14], $0x2800  }
0x9b: {  	[sflag:s14] =	ssyncset.done $0x0  }
0x9c: {  	[sflag:s14] =	ssyncadd.s32 $0xFFFFD800  }
0x9d: {  	_ =	swait.ge [sflag:s28], $0x2800  }
0x9e: {  	[sflag:s28] =	ssyncset.done $0x0  }
0x9f: {  	s19 =	sadd.s32 $0x500, s2;
	[sflag:s28] =	ssyncadd.s32 $0xFFFFD800  }
0xa0: {  	[hbm4b:s19+s3] =	stream.linear.scatter [tilespmem:s23], [sflag:$0x5], $0x2800, $0x38;
	[tilespmem:$0x1B480] =	vst v63  }
0xa1: {  	_ =	swait.ge [sflag:s14], $0x2800  }
0xa2: {  	[sflag:s14] =	ssyncset.done $0x0  }
0xa3: {  	[sflag:s14] =	ssyncadd.s32 $0xFFFFD800  }
0xa4: {  	_ =	swait.ge [sflag:s29], $0x2800  }
0xa5: {  	[sflag:s29] =	ssyncset.done $0x0  }
0xa6: {  	s20 =	sadd.s32 $0xA00, s2;
	[sflag:s29] =	ssyncadd.s32 $0xFFFFD800  }
0xa7: {  	[hbm4b:s20+s3] =	stream.linear.scatter [tilespmem:s24], [sflag:$0x5], $0x2800, $0x38;
	[tilespmem:$0x1B480] =	vst v63  }
0xa8: {  	_ =	swait.ge [sflag:s14], $0x2800  }
0xa9: {  	[sflag:s14] =	ssyncset.done $0x0  }
0xaa: {  	[sflag:s14] =	ssyncadd.s32 $0xFFFFD800  }
0xab: {  	_ =	swait.ge [sflag:s30], $0x2800  }
0xac: {  	[sflag:s30] =	ssyncset.done $0x0  }
0xad: {  	s2 =	sadd.s32 $0xF00, s2;
	[sflag:s30] =	ssyncadd.s32 $0xFFFFD800  }
0xae: {  	[hbm4b:s2+s3] =	stream.linear.scatter [tilespmem:s25], [sflag:$0x5], $0x2800, $0x38;
	[tilespmem:$0x1B480] =	vst v63  }
0xaf: {  	_ =	swait.ge [sflag:s14], $0x2800  }
0xb0: {  	[sflag:s14] =	ssyncset.done $0x0  }
0xb1: {  	s31 =	simm.s32 $0x26C0;
	[sflag:s14] =	ssyncadd.s32 $0xFFFFD800  }
0xb2: {  	[tilespmem:s22], [sflag:$0x1] =	stream.indirect.gather [hbm4b:s1+s21], $0x80, s31, s21, $0xb8;
	[tilespmem:$0x1B480] =	vst v63  }
0xb3: {  	s0 =	sadd.s32 $0x1, s0;
	_ =	swait.ge [sflag:s26], $0x2800  }
0xb4: {  	p0 =	sne.s32 s0, s12;
	[sflag:s26] =	ssyncset.done $0x0  }
.Ltmp2:
0xb5: {  	[sflag:s26] =	ssyncadd.s32 $0xFFFFD800;
	(pc) =	sbr.rel @p0 .LBB2_1-.Ltmp2, $4  }
0xb6: {  	[hbm4b:s11+s3] =	stream.linear.scatter [tilespmem:s22], [sflag:$0x5], $0x2800, $0x38;
	[tilespmem:$0x1B480] =	vst v63  }
0xb7: {  	_ =	swait.ge [sflag:s14], $0x2800  }
0xb8: {  	[sflag:s14] =	ssyncset.done $0x0  }
0xb9: {  	[sflag:s14] =	ssyncadd.s32 $0xFFFFD800  }
0xba: {  	_ =	sfence.sel $0x180000  }
0xbb: {  	[bflag:$0x0] =	sbarrier.arrive $0xFFFF  }
0xbc: {  	_ =	strace $0x90000047  }
0xbd: {  	s0 =	stileid.u32;
	[bflag:$0x2] =	sbarrier.arrive $0xFFFF  }
0xbe: {  	p0 =	sne.s32 s0, $0x0;
	s0 =	rddreg [dreg:$0x3]  }
0xbf: {  	s0 =	sadd.s32 @!p0 $0x100000, s0  }
0xc0: {  	[sflag:s0] =	ssyncadd.tile.s32 @!p0 $0x1;
	_ =	shalt  }
.Lfunc_end2:
_tile_overlayer_lowered:
.L_overlay_start_2:
0xc1: {  	(tag) =	ssettag $0x2  }
0xc2: {  	s0 =	rddreg [dreg:$0x0];
	s2 =	stileid.u32  }
0xc3: {  	s1 =	rddreg [dreg:$0x1];
	p0 =	sne.s32 s2, $0x0  }
0xc4: {  	s3 =	rddreg [dreg:$0x2];
	[bflag:$0x3] =	sbarrier.arrive $0xFFFF;
	s2 =	simm.s32 @!p0 $0x1C05  }
0xc5: {  	[timem:s3], [sflag:s2] =	dma.local @!p0 [hbm:s0], s1  }
0xc6: {  	s0 =	simm.s32 @!p0 $0x5  }
0xc7: {  	_ =	swait.ge @!p0 [sflag:s0], s1  }
0xc8: {  	s1 =	ssub.s32 @!p0 $0x0, s1;
	[sflag:s0] =	ssyncset.done @!p0 $0x0  }
0xc9: {  	[sflag:s0] =	ssyncadd.s32 @!p0 s1  }
0xca: {  	[bflag:$0x3] =	sbarrier.arrive $0xFFFF  }
0xcb: {  	_ =	shalt  }

</sc_bundles>
